<compile_context>
chip_gen: v7x
topology: tpu7x:2x2x1
jax: 0.10.2.dev20260603
libtpu: 0.0.44.dev20260713+nightly
codegen_flags: <defaults>
</compile_context>

<pallas_src>
import functools

import jax
import jax.numpy as jnp
from jax import lax
from jax.experimental import pallas as pl
from jax.experimental.pallas import tpu as pltpu
from jax.experimental.pallas import tpu_sc as plsc


LANES = 16
C = 80


def _project_kernel(e_ref, w1a_ref, w1b_ref, b1_ref, p1_ref, p2_ref):
    e = e_ref[...]
    p1_ref[...] = (
        jnp.dot(e, w1a_ref[...], preferred_element_type=jnp.float32) + b1_ref[...]
    )
    p2_ref[...] = jnp.dot(e, w1b_ref[...], preferred_element_type=jnp.float32)


def _combine_kernel(p_ref, o_ref):
    o_ref[...] = p_ref[0] + p_ref[1]


def _edge_kernel(
    n_nodes,
    n_edges,
    d,
    hid,
    p1_hbm,
    p2_hbm,
    x_hbm,
    col_hbm,
    row_hbm,
    w2_hbm,
    b2_hbm,
    out_hbm,
    acc,
    colva, colvb,
    rowva, rowvb,
    p1ga, p1gb,
    p2ga, p2gb,
    xga, xgb,
    w2v,
    b2v,
    sema1, sema2, sema3, semsa,
    semb1, semb2, semb3, semsb,
):
    c = lax.axis_index("c")
    s = lax.axis_index("s")
    wid = c * 16 + s

    per_tile = n_edges // 32
    n_chunks = per_tile // C
    ebase = wid * per_tile

    @pl.loop(0, C)
    def _(r):
        for dd in range(d // LANES):
            xga[r, pl.ds(dd * LANES, LANES)] = jnp.zeros((LANES,), jnp.float32)

    n_row_chunks = n_nodes // C

    @pl.loop(0, (n_row_chunks + 15) // 16)
    def _(j):
        rid = s + 16 * j

        @pl.when(rid < n_row_chunks)
        def _():
            pltpu.sync_copy(xga, acc.at[pl.ds(rid * C, C)])

    pltpu.sync_copy(w2_hbm, w2v)
    pltpu.sync_copy(b2_hbm, b2v)
    w2r = [w2v[pl.ds(k * LANES, LANES)] for k in range(hid // LANES)]
    b2r = b2v[...]

    plsc.subcore_barrier()

    def issue(i, colv, rowv, p1g, p2g, xg, s1, s2, s3, ssc):
        @pl.when(i >= 2)
        def _():
            pltpu.make_async_copy(xg, acc.at[colv.at[0]], ssc).wait()

        eoff = ebase + i * C
        pltpu.sync_copy(col_hbm.at[pl.ds(eoff, C)], colv.at[0])
        pltpu.sync_copy(row_hbm.at[pl.ds(eoff, C)], rowv.at[0])
        pltpu.async_copy(p1_hbm.at[colv.at[0]], p1g, s1)
        pltpu.async_copy(p2_hbm.at[rowv.at[0]], p2g, s2)
        pltpu.async_copy(x_hbm.at[rowv.at[0]], xg, s3)

    def process(colv, rowv, p1g, p2g, xg, s1, s2, s3, ssc):
        pltpu.make_async_copy(p1_hbm.at[colv.at[0]], p1g, s1).wait()
        pltpu.make_async_copy(p2_hbm.at[rowv.at[0]], p2g, s2).wait()
        pltpu.make_async_copy(x_hbm.at[rowv.at[0]], xg, s3).wait()

        @pl.loop(0, C)
        def _(e):
            t = jnp.zeros((LANES,), jnp.float32)
            for k in range(hid // LANES):
                h = jnp.maximum(
                    p1g[e, pl.ds(k * LANES, LANES)]
                    + p2g[e, pl.ds(k * LANES, LANES)],
                    0.0,
                )
                t = t + h * w2r[k]
            z = jnp.broadcast_to(jnp.sum(t), (LANES,)) + b2r
            m = 1.0 / (1.0 + jnp.exp(-z))
            for dd in range(d // LANES):
                xg[e, pl.ds(dd * LANES, LANES)] = xg[e, pl.ds(dd * LANES, LANES)] * m

        pltpu.async_copy(xg, acc.at[colv.at[0]], ssc, add=True)

    bufa = (colva, rowva, p1ga, p2ga, xga, sema1, sema2, sema3, semsa)
    bufb = (colvb, rowvb, p1gb, p2gb, xgb, semb1, semb2, semb3, semsb)

    issue(0, *bufa)

    @pl.loop(0, n_chunks - 1, step=2)
    def _(i):
        issue(i + 1, *bufb)
        process(*bufa)
        issue(i + 2, *bufa)
        process(*bufb)

    process(*bufa)

    pltpu.make_async_copy(xgb, acc.at[colvb.at[0]], semsb).wait()
    pltpu.make_async_copy(xga, acc.at[colva.at[0]], semsa).wait()

    plsc.subcore_barrier()

    @pl.loop(0, (n_row_chunks + 15) // 16)
    def _(j):
        rid = s + 16 * j

        @pl.when(rid < n_row_chunks)
        def _():
            pltpu.sync_copy(
                acc.at[pl.ds(rid * C, C)],
                out_hbm.at[c, pl.ds(rid * C, C)],
            )


def kernel(x, embed, edge_index, W1, b1, W2, b2):
    n, d = x.shape
    e = edge_index.shape[1]
    hid = W1.shape[1]

    w1a = W1[:d]
    w1b = W1[d:]
    b1r = b1.reshape(1, hid)
    w2flat = W2.reshape(hid)
    b2b = jnp.broadcast_to(b2, (LANES,)).astype(jnp.float32)
    col = edge_index[0]
    row = edge_index[1]

    rows_blk = 1000
    p1, p2 = pl.pallas_call(
        _project_kernel,
        grid=(n // rows_blk,),
        in_specs=[
            pl.BlockSpec((rows_blk, d), lambda i: (i, 0)),
            pl.BlockSpec((d, hid), lambda i: (0, 0)),
            pl.BlockSpec((d, hid), lambda i: (0, 0)),
            pl.BlockSpec((1, hid), lambda i: (0, 0)),
        ],
        out_specs=[
            pl.BlockSpec((rows_blk, hid), lambda i: (i, 0)),
            pl.BlockSpec((rows_blk, hid), lambda i: (i, 0)),
        ],
        out_shape=[
            jax.ShapeDtypeStruct((n, hid), jnp.float32),
            jax.ShapeDtypeStruct((n, hid), jnp.float32),
        ],
    )(embed, w1a, w1b, b1r)

    mesh = plsc.VectorSubcoreMesh(core_axis_name="c", subcore_axis_name="s")
    cp = pltpu.CompilerParams(
        needs_layout_passes=False, use_tc_tiling_on_sc=False
    )
    sc_edge = pl.kernel(
        functools.partial(_edge_kernel, n, e, d, hid),
        out_type=jax.ShapeDtypeStruct((2, n, d), jnp.float32),
        mesh=mesh,
        scratch_types=[
            pltpu.VMEM_SHARED((n, d), jnp.float32),
            pltpu.VMEM((1, C), jnp.int32),
            pltpu.VMEM((1, C), jnp.int32),
            pltpu.VMEM((1, C), jnp.int32),
            pltpu.VMEM((1, C), jnp.int32),
            pltpu.VMEM((C, hid), jnp.float32),
            pltpu.VMEM((C, hid), jnp.float32),
            pltpu.VMEM((C, hid), jnp.float32),
            pltpu.VMEM((C, hid), jnp.float32),
            pltpu.VMEM((C, d), jnp.float32),
            pltpu.VMEM((C, d), jnp.float32),
            pltpu.VMEM((hid,), jnp.float32),
            pltpu.VMEM((LANES,), jnp.float32),
            pltpu.SemaphoreType.DMA,
            pltpu.SemaphoreType.DMA,
            pltpu.SemaphoreType.DMA,
            pltpu.SemaphoreType.DMA,
            pltpu.SemaphoreType.DMA,
            pltpu.SemaphoreType.DMA,
            pltpu.SemaphoreType.DMA,
            pltpu.SemaphoreType.DMA,
        ],
        compiler_params=cp,
    )
    partials = sc_edge(p1, p2, x, col, row, w2flat, b2b)

    out = pl.pallas_call(
        _combine_kernel,
        grid=(n // rows_blk,),
        in_specs=[pl.BlockSpec((2, rows_blk, d), lambda i: (0, i, 0))],
        out_specs=pl.BlockSpec((rows_blk, d), lambda i: (i, 0)),
        out_shape=jax.ShapeDtypeStruct((n, d), jnp.float32),
    )(partials)
    return out

# --- scband reference (transcript-rebuilt; emitter-appended) ---
"""Pipeline reference for scband-pgexplainer-40819369181438 (READ-ONLY COPY).

The authoritative reference and input builder live on the scoring server;
editing this copy changes nothing except your own understanding.
"""

import jax, jax.numpy as jnp
import numpy as np

N = 10000
E = 320000
D = 128
HID = 64


def setup_inputs(seed: int = 0) -> dict:
    key = jax.random.key(seed)
    k1, k2, k3, k4, k5 = jax.random.split(key, 5)
    x = jax.random.normal(k1, (N, D), dtype=jnp.float32)
    embed = jax.random.normal(k2, (N, D), dtype=jnp.float32)
    edge_index = jax.random.randint(k3, (2, E), 0, N, dtype=jnp.int32)
    # Explanation network parameters: Linear(2*D, 64) + ReLU, Linear(64, 1)
    W1 = jax.random.normal(k4, (2 * D, HID), dtype=jnp.float32) * (1.0 / np.sqrt(2 * D))
    b1 = jnp.zeros((HID,), dtype=jnp.float32)
    W2 = jax.random.normal(k5, (HID, 1), dtype=jnp.float32) * (1.0 / np.sqrt(HID))
    b2 = jnp.zeros((1,), dtype=jnp.float32)
    return {"x": x, "embed": embed, "edge_index": edge_index, "W1": W1, "b1": b1, "W2": W2, "b2": b2}


def reference(x, embed, edge_index, W1, b1, W2, b2):
    # PGExplainer explanation-network forward (explain_graph branch, eval mode):
    # gather source/target node embeddings per edge, concat, 2-layer MLP -> edge logits,
    # concrete_sample with training=False reduces to sigmoid(logits) -> edge mask.
    col = edge_index[0]
    row = edge_index[1]
    f1 = jnp.take(embed, col, axis=0)
    f2 = jnp.take(embed, row, axis=0)
    f12 = jnp.concatenate([f1, f2], axis=-1)  # [E, 2D]
    h = jax.nn.relu(f12 @ W1 + b1)
    logits = (h @ W2 + b2).reshape(-1)  # [E]
    edge_mask = jax.nn.sigmoid(logits)
    # Masked message passing step of the downstream model: scatter-add masked
    # source features into destination nodes (the __set_masks__ + propagate effect).
    msgs = edge_mask[:, None] * jnp.take(x, row, axis=0)  # [E, D]
    out = jax.ops.segment_sum(msgs, col, num_segments=x.shape[0])  # [N, D]
    return out

if __name__ == "__main__":
    import jax
    _d = setup_inputs()
    print(jax.jit(kernel)(*tuple(_d.values())))

</pallas_src>

<mosaic_0001>
#map = affine_map<(d0, d1) -> (0, 0)>
#map1 = affine_map<(d0, d1) -> (0)>
#map2 = affine_map<(d0, d1) -> (0, 0, 0)>
module attributes {stable_mosaic.version = 14 : i64} {
  func.func @_edge_kernel(%arg0: i32, %arg1: i32, %arg2: memref<10000x64xf32, #tpu.memory_space<hbm>>, %arg3: memref<10000x64xf32, #tpu.memory_space<hbm>>, %arg4: memref<10000x128xf32, #tpu.memory_space<hbm>>, %arg5: memref<320000xi32, #tpu.memory_space<hbm>>, %arg6: memref<320000xi32, #tpu.memory_space<hbm>>, %arg7: memref<64xf32, #tpu.memory_space<hbm>>, %arg8: memref<16xf32, #tpu.memory_space<hbm>>, %arg9: memref<2x10000x128xf32, #tpu.memory_space<hbm>>, %arg10: memref<10000x128xf32, #tpu.memory_space<vmem_shared>>, %arg11: memref<1x80xi32, #tpu.memory_space<vmem>>, %arg12: memref<1x80xi32, #tpu.memory_space<vmem>>, %arg13: memref<1x80xi32, #tpu.memory_space<vmem>>, %arg14: memref<1x80xi32, #tpu.memory_space<vmem>>, %arg15: memref<80x64xf32, #tpu.memory_space<vmem>>, %arg16: memref<80x64xf32, #tpu.memory_space<vmem>>, %arg17: memref<80x64xf32, #tpu.memory_space<vmem>>, %arg18: memref<80x64xf32, #tpu.memory_space<vmem>>, %arg19: memref<80x128xf32, #tpu.memory_space<vmem>>, %arg20: memref<80x128xf32, #tpu.memory_space<vmem>>, %arg21: memref<64xf32, #tpu.memory_space<vmem>>, %arg22: memref<16xf32, #tpu.memory_space<vmem>>, %arg23: memref<!tpu.dma_semaphore, #tpu.memory_space<semaphore_mem>>, %arg24: memref<!tpu.dma_semaphore, #tpu.memory_space<semaphore_mem>>, %arg25: memref<!tpu.dma_semaphore, #tpu.memory_space<semaphore_mem>>, %arg26: memref<!tpu.dma_semaphore, #tpu.memory_space<semaphore_mem>>, %arg27: memref<!tpu.dma_semaphore, #tpu.memory_space<semaphore_mem>>, %arg28: memref<!tpu.dma_semaphore, #tpu.memory_space<semaphore_mem>>, %arg29: memref<!tpu.dma_semaphore, #tpu.memory_space<semaphore_mem>>, %arg30: memref<!tpu.dma_semaphore, #tpu.memory_space<semaphore_mem>>) attributes {dimension_semantics = [#tpu.dimension_semantics<core_parallel>, #tpu.dimension_semantics<subcore_parallel>], iteration_bounds = array<i64: 2, 16>, scalar_prefetch = 0 : i64, scratch_operands = 21 : i64, tpu.core_type = #tpu.core_type<sc_vector_subcore>, window_params = [{transform_indices = #map}, {transform_indices = #map}, {transform_indices = #map}, {transform_indices = #map1}, {transform_indices = #map1}, {transform_indices = #map1}, {transform_indices = #map1}, {transform_indices = #map2}]} {
    %mul3A = arith.constant 16 : i32
    %mul3A_0 = arith.muli %arg0, %mul3A : i32
    %add3A = arith.addi %mul3A_0, %arg1 : i32
    %mul3A_1 = arith.constant 10000 : i32
    %mul3A_2 = arith.muli %add3A, %mul3A_1 : i32
    %scan3A = arith.constant 0 : i32
    %scan3A_3 = arith.constant 80 : i32
    %scan3A_4 = arith.addi %scan3A, %scan3A_3 : i32
    %scan3A_5 = arith.constant 1 : i32
    scf.for %scan3A_101 = %scan3A to %scan3A_4 step %scan3A_5  : i32 {
      %mul3A_102 = arith.constant 1 : i32
      %mul3A_103 = arith.muli %scan3A_101, %mul3A_102 : i32
      %add3A_104 = arith.constant 0 : i32
      %add3A_105 = arith.addi %add3A_104, %mul3A_103 : i32
      %broadcast_in_dim3A = arith.constant 0.000000e+00 : f32
      %broadcast_in_dim3A_106 = vector.broadcast %broadcast_in_dim3A : f32 to vector<16xf32>
      %swap3A = arith.index_cast %add3A_105 : i32 to index
      %swap3A_107 = arith.constant 0 : index
      %swap3A_108 = tpu.vector_load %arg19[%swap3A, %swap3A_107] {strides = array<i32>} : memref<80x128xf32, #tpu.memory_space<vmem>>, vector<16xf32>,
      tpu.vector_store %arg19[%swap3A, %swap3A_107], %broadcast_in_dim3A_106 {strides = array<i32>} : memref<80x128xf32, #tpu.memory_space<vmem>>, vector<16xf32>,
      %broadcast_in_dim3A_109 = arith.constant 0.000000e+00 : f32
      %broadcast_in_dim3A_110 = vector.broadcast %broadcast_in_dim3A_109 : f32 to vector<16xf32>
      %swap3A_111 = arith.index_cast %add3A_105 : i32 to index
      %swap3A_112 = arith.constant 16 : index
      %swap3A_113 = tpu.vector_load %arg19[%swap3A_111, %swap3A_112] {strides = array<i32>} : memref<80x128xf32, #tpu.memory_space<vmem>>, vector<16xf32>,
      tpu.vector_store %arg19[%swap3A_111, %swap3A_112], %broadcast_in_dim3A_110 {strides = array<i32>} : memref<80x128xf32, #tpu.memory_space<vmem>>, vector<16xf32>,
      %broadcast_in_dim3A_114 = arith.constant 0.000000e+00 : f32
      %broadcast_in_dim3A_115 = vector.broadcast %broadcast_in_dim3A_114 : f32 to vector<16xf32>
      %swap3A_116 = arith.index_cast %add3A_105 : i32 to index
      %swap3A_117 = arith.constant 32 : index
      %swap3A_118 = tpu.vector_load %arg19[%swap3A_116, %swap3A_117] {strides = array<i32>} : memref<80x128xf32, #tpu.memory_space<vmem>>, vector<16xf32>,
      tpu.vector_store %arg19[%swap3A_116, %swap3A_117], %broadcast_in_dim3A_115 {strides = array<i32>} : memref<80x128xf32, #tpu.memory_space<vmem>>, vector<16xf32>,
      %broadcast_in_dim3A_119 = arith.constant 0.000000e+00 : f32
      %broadcast_in_dim3A_120 = vector.broadcast %broadcast_in_dim3A_119 : f32 to vector<16xf32>
      %swap3A_121 = arith.index_cast %add3A_105 : i32 to index
      %swap3A_122 = arith.constant 48 : index
      %swap3A_123 = tpu.vector_load %arg19[%swap3A_121, %swap3A_122] {strides = array<i32>} : memref<80x128xf32, #tpu.memory_space<vmem>>, vector<16xf32>,
      tpu.vector_store %arg19[%swap3A_121, %swap3A_122], %broadcast_in_dim3A_120 {strides = array<i32>} : memref<80x128xf32, #tpu.memory_space<vmem>>, vector<16xf32>,
      %broadcast_in_dim3A_124 = arith.constant 0.000000e+00 : f32
      %broadcast_in_dim3A_125 = vector.broadcast %broadcast_in_dim3A_124 : f32 to vector<16xf32>
      %swap3A_126 = arith.index_cast %add3A_105 : i32 to index
      %swap3A_127 = arith.constant 64 : index
      %swap3A_128 = tpu.vector_load %arg19[%swap3A_126, %swap3A_127] {strides = array<i32>} : memref<80x128xf32, #tpu.memory_space<vmem>>, vector<16xf32>,
      tpu.vector_store %arg19[%swap3A_126, %swap3A_127], %broadcast_in_dim3A_125 {strides = array<i32>} : memref<80x128xf32, #tpu.memory_space<vmem>>, vector<16xf32>,
      %broadcast_in_dim3A_129 = arith.constant 0.000000e+00 : f32
      %broadcast_in_dim3A_130 = vector.broadcast %broadcast_in_dim3A_129 : f32 to vector<16xf32>
      %swap3A_131 = arith.index_cast %add3A_105 : i32 to index
      %swap3A_132 = arith.constant 80 : index
      %swap3A_133 = tpu.vector_load %arg19[%swap3A_131, %swap3A_132] {strides = array<i32>} : memref<80x128xf32, #tpu.memory_space<vmem>>, vector<16xf32>,
      tpu.vector_store %arg19[%swap3A_131, %swap3A_132], %broadcast_in_dim3A_130 {strides = array<i32>} : memref<80x128xf32, #tpu.memory_space<vmem>>, vector<16xf32>,
      %broadcast_in_dim3A_134 = arith.constant 0.000000e+00 : f32
      %broadcast_in_dim3A_135 = vector.broadcast %broadcast_in_dim3A_134 : f32 to vector<16xf32>
      %swap3A_136 = arith.index_cast %add3A_105 : i32 to index
      %swap3A_137 = arith.constant 96 : index
      %swap3A_138 = tpu.vector_load %arg19[%swap3A_136, %swap3A_137] {strides = array<i32>} : memref<80x128xf32, #tpu.memory_space<vmem>>, vector<16xf32>,
      tpu.vector_store %arg19[%swap3A_136, %swap3A_137], %broadcast_in_dim3A_135 {strides = array<i32>} : memref<80x128xf32, #tpu.memory_space<vmem>>, vector<16xf32>,
      %broadcast_in_dim3A_139 = arith.constant 0.000000e+00 : f32
      %broadcast_in_dim3A_140 = vector.broadcast %broadcast_in_dim3A_139 : f32 to vector<16xf32>
      %swap3A_141 = arith.index_cast %add3A_105 : i32 to index
      %swap3A_142 = arith.constant 112 : index
      %swap3A_143 = tpu.vector_load %arg19[%swap3A_141, %swap3A_142] {strides = array<i32>} : memref<80x128xf32, #tpu.memory_space<vmem>>, vector<16xf32>,
      tpu.vector_store %arg19[%swap3A_141, %swap3A_142], %broadcast_in_dim3A_140 {strides = array<i32>} : memref<80x128xf32, #tpu.memory_space<vmem>>, vector<16xf32>,
    }
    %scan3A_6 = arith.constant 80 : i32
    %scan3A_7 = arith.constant 0 : i32
    %scan3A_8 = arith.constant 8 : i32
    %scan3A_9 = arith.addi %scan3A_7, %scan3A_8 : i32
    %scan3A_10 = arith.constant 1 : i32
    scf.for %scan3A_101 = %scan3A_7 to %scan3A_9 step %scan3A_10  : i32 {
      %mul3A_102 = arith.constant 1 : i32
      %mul3A_103 = arith.muli %scan3A_101, %mul3A_102 : i32
      %add3A_104 = arith.constant 0 : i32
      %add3A_105 = arith.addi %add3A_104, %mul3A_103 : i32
      %mul3A_106 = arith.constant 16 : i32
      %mul3A_107 = arith.muli %mul3A_106, %add3A_105 : i32
      %add3A_108 = arith.addi %arg1, %mul3A_107 : i32
      %lt3A = arith.constant 125 : i32
      %lt3A_109 = arith.cmpi slt, %add3A_108, %lt3A : i32
      %convert_element_type3A = arith.extui %lt3A_109 : i1 to i32
      %cond3A = arith.constant 0 : i32
      %cond3A_110 = arith.cmpi ne, %convert_element_type3A, %cond3A : i32
      scf.if %cond3A_110 {
        %mul3A_111 = arith.constant 80 : i32
        %mul3A_112 = arith.muli %add3A_108, %mul3A_111 : i32
        "tpu.region"() ({
          %run_scoped3A_113 = tpu.sem_alloc : memref<!tpu.dma_semaphore, #tpu.memory_space<semaphore_mem>>
          %dma_start3A_114 = arith.constant 0 : i32
          %dma_start3A_115 = tpu.memref_slice %arg10[%mul3A_112, %dma_start3A_114] : memref<10000x128xf32, #tpu.memory_space<vmem_shared>> -> memref<80x128xf32, #tpu.memory_space<vmem_shared>>
          %dma_start3A_116 = arith.constant 0 : i32
          %dma_start3A_117 = tpu.memref_slice %arg10[%mul3A_112, %dma_start3A_116] : memref<10000x128xf32, #tpu.memory_space<vmem_shared>> -> memref<80x128xf32, #tpu.memory_space<vmem_shared>>
          tpu.enqueue_dma source(%arg19 : memref<80x128xf32, #tpu.memory_space<vmem>>) target(%dma_start3A_117 : memref<80x128xf32, #tpu.memory_space<vmem_shared>>) target_semaphore(%run_scoped3A_113 : memref<!tpu.dma_semaphore, #tpu.memory_space<semaphore_mem>>)
          %dma_wait3A_118 = arith.constant 0 : i32
          %dma_wait3A_119 = tpu.memref_slice %arg10[%mul3A_112, %dma_wait3A_118] : memref<10000x128xf32, #tpu.memory_space<vmem_shared>> -> memref<80x128xf32, #tpu.memory_space<vmem_shared>>
          %dma_wait3A_120 = arith.constant 0 : i32
          %dma_wait3A_121 = tpu.memref_slice %arg10[%mul3A_112, %dma_wait3A_120] : memref<10000x128xf32, #tpu.memory_space<vmem_shared>> -> memref<80x128xf32, #tpu.memory_space<vmem_shared>>
          tpu.wait_dma2 semaphore(%run_scoped3A_113 : memref<!tpu.dma_semaphore, #tpu.memory_space<semaphore_mem>>) src(%arg19 : memref<80x128xf32, #tpu.memory_space<vmem>>) dst(%dma_wait3A_121 : memref<80x128xf32, #tpu.memory_space<vmem_shared>>)
          tpu.yield
        }) : () -> ()
      } else {
      }
    }
    %scan3A_11 = arith.constant 8 : i32
    "tpu.region"() ({
      %run_scoped3A_101 = tpu.sem_alloc : memref<!tpu.dma_semaphore, #tpu.memory_space<semaphore_mem>>
      tpu.enqueue_dma source(%arg7 : memref<64xf32, #tpu.memory_space<hbm>>) target(%arg21 : memref<64xf32, #tpu.memory_space<vmem>>) target_semaphore(%run_scoped3A_101 : memref<!tpu.dma_semaphore, #tpu.memory_space<semaphore_mem>>)
      tpu.wait_dma2 semaphore(%run_scoped3A_101 : memref<!tpu.dma_semaphore, #tpu.memory_space<semaphore_mem>>) src(%arg7 : memref<64xf32, #tpu.memory_space<hbm>>) dst(%arg21 : memref<64xf32, #tpu.memory_space<vmem>>)
      tpu.yield
    }) : () -> ()
    "tpu.region"() ({
      %run_scoped3A_101 = tpu.sem_alloc : memref<!tpu.dma_semaphore, #tpu.memory_space<semaphore_mem>>
      tpu.enqueue_dma source(%arg8 : memref<16xf32, #tpu.memory_space<hbm>>) target(%arg22 : memref<16xf32, #tpu.memory_space<vmem>>) target_semaphore(%run_scoped3A_101 : memref<!tpu.dma_semaphore, #tpu.memory_space<semaphore_mem>>)
      tpu.wait_dma2 semaphore(%run_scoped3A_101 : memref<!tpu.dma_semaphore, #tpu.memory_space<semaphore_mem>>) src(%arg8 : memref<16xf32, #tpu.memory_space<hbm>>) dst(%arg22 : memref<16xf32, #tpu.memory_space<vmem>>)
      tpu.yield
    }) : () -> ()
    %get3A = arith.constant 0 : index
    %get3A_12 = tpu.vector_load %arg21[%get3A] {strides = array<i32>} : memref<64xf32, #tpu.memory_space<vmem>>, vector<16xf32>,
    %get3A_13 = arith.constant 16 : index
    %get3A_14 = tpu.vector_load %arg21[%get3A_13] {strides = array<i32>} : memref<64xf32, #tpu.memory_space<vmem>>, vector<16xf32>,
    %get3A_15 = arith.constant 32 : index
    %get3A_16 = tpu.vector_load %arg21[%get3A_15] {strides = array<i32>} : memref<64xf32, #tpu.memory_space<vmem>>, vector<16xf32>,
    %get3A_17 = arith.constant 48 : index
    %get3A_18 = tpu.vector_load %arg21[%get3A_17] {strides = array<i32>} : memref<64xf32, #tpu.memory_space<vmem>>, vector<16xf32>,
    %get3A_19 = arith.constant 0 : index
    %get3A_20 = tpu.vector_load %arg22[%get3A_19] {strides = array<i32>} : memref<16xf32, #tpu.memory_space<vmem>>, vector<16xf32>,
    %barrier3A = arith.constant 0 : index
    tpu.barrier barrier_id(%barrier3A)
    %add3A_21 = arith.constant 0 : i32
    %add3A_22 = arith.addi %mul3A_2, %add3A_21 : i32
    %run_scoped3A = arith.constant 0 : i32
    "tpu.region"() ({
      %run_scoped3A_101 = tpu.sem_alloc : memref<!tpu.dma_semaphore, #tpu.memory_space<semaphore_mem>>
      %dma_start3A_102 = arith.constant 0 : i32
      %dma_start3A_103 = tpu.memref_slice %arg11[%run_scoped3A, %dma_start3A_102] : memref<1x80xi32, #tpu.memory_space<vmem>> -> memref<1x80xi32, #tpu.memory_space<vmem>>
      %dma_start3A_104 = tpu.memref_squeeze %dma_start3A_103 : memref<1x80xi32, #tpu.memory_space<vmem>> -> memref<80xi32, #tpu.memory_space<vmem>>
      %dma_start3A_105 = tpu.memref_slice %arg5[%add3A_22] : memref<320000xi32, #tpu.memory_space<hbm>> -> memref<80xi32, #tpu.memory_space<hbm>>
      %dma_start3A_106 = arith.constant 0 : i32
      %dma_start3A_107 = tpu.memref_slice %arg11[%run_scoped3A, %dma_start3A_106] : memref<1x80xi32, #tpu.memory_space<vmem>> -> memref<1x80xi32, #tpu.memory_space<vmem>>
      %dma_start3A_108 = tpu.memref_squeeze %dma_start3A_107 : memref<1x80xi32, #tpu.memory_space<vmem>> -> memref<80xi32, #tpu.memory_space<vmem>>
      %dma_start3A_109 = tpu.memref_slice %arg5[%add3A_22] : memref<320000xi32, #tpu.memory_space<hbm>> -> memref<80xi32, #tpu.memory_space<hbm>>
      tpu.enqueue_dma source(%dma_start3A_109 : memref<80xi32, #tpu.memory_space<hbm>>) target(%dma_start3A_108 : memref<80xi32, #tpu.memory_space<vmem>>) target_semaphore(%run_scoped3A_101 : memref<!tpu.dma_semaphore, #tpu.memory_space<semaphore_mem>>)
      %dma_wait3A_110 = arith.constant 0 : i32
      %dma_wait3A_111 = tpu.memref_slice %arg11[%run_scoped3A, %dma_wait3A_110] : memref<1x80xi32, #tpu.memory_space<vmem>> -> memref<1x80xi32, #tpu.memory_space<vmem>>
      %dma_wait3A_112 = tpu.memref_squeeze %dma_wait3A_111 : memref<1x80xi32, #tpu.memory_space<vmem>> -> memref<80xi32, #tpu.memory_space<vmem>>
      %dma_wait3A_113 = tpu.memref_slice %arg5[%add3A_22] : memref<320000xi32, #tpu.memory_space<hbm>> -> memref<80xi32, #tpu.memory_space<hbm>>
      %dma_wait3A_114 = arith.constant 0 : i32
      %dma_wait3A_115 = tpu.memref_slice %arg11[%run_scoped3A, %dma_wait3A_114] : memref<1x80xi32, #tpu.memory_space<vmem>> -> memref<1x80xi32, #tpu.memory_space<vmem>>
      %dma_wait3A_116 = tpu.memref_squeeze %dma_wait3A_115 : memref<1x80xi32, #tpu.memory_space<vmem>> -> memref<80xi32, #tpu.memory_space<vmem>>
      %dma_wait3A_117 = tpu.memref_slice %arg5[%add3A_22] : memref<320000xi32, #tpu.memory_space<hbm>> -> memref<80xi32, #tpu.memory_space<hbm>>
      tpu.wait_dma2 semaphore(%run_scoped3A_101 : memref<!tpu.dma_semaphore, #tpu.memory_space<semaphore_mem>>) src(%dma_wait3A_117 : memref<80xi32, #tpu.memory_space<hbm>>) dst(%dma_wait3A_116 : memref<80xi32, #tpu.memory_space<vmem>>)
      tpu.yield
    }) : () -> ()
    %run_scoped3A_23 = arith.constant 0 : i32
    "tpu.region"() ({
      %run_scoped3A_101 = tpu.sem_alloc : memref<!tpu.dma_semaphore, #tpu.memory_space<semaphore_mem>>
      %dma_start3A_102 = arith.constant 0 : i32
      %dma_start3A_103 = tpu.memref_slice %arg13[%run_scoped3A_23, %dma_start3A_102] : memref<1x80xi32, #tpu.memory_space<vmem>> -> memref<1x80xi32, #tpu.memory_space<vmem>>
      %dma_start3A_104 = tpu.memref_squeeze %dma_start3A_103 : memref<1x80xi32, #tpu.memory_space<vmem>> -> memref<80xi32, #tpu.memory_space<vmem>>
      %dma_start3A_105 = tpu.memref_slice %arg6[%add3A_22] : memref<320000xi32, #tpu.memory_space<hbm>> -> memref<80xi32, #tpu.memory_space<hbm>>
      %dma_start3A_106 = arith.constant 0 : i32
      %dma_start3A_107 = tpu.memref_slice %arg13[%run_scoped3A_23, %dma_start3A_106] : memref<1x80xi32, #tpu.memory_space<vmem>> -> memref<1x80xi32, #tpu.memory_space<vmem>>
      %dma_start3A_108 = tpu.memref_squeeze %dma_start3A_107 : memref<1x80xi32, #tpu.memory_space<vmem>> -> memref<80xi32, #tpu.memory_space<vmem>>
      %dma_start3A_109 = tpu.memref_slice %arg6[%add3A_22] : memref<320000xi32, #tpu.memory_space<hbm>> -> memref<80xi32, #tpu.memory_space<hbm>>
      tpu.enqueue_dma source(%dma_start3A_109 : memref<80xi32, #tpu.memory_space<hbm>>) target(%dma_start3A_108 : memref<80xi32, #tpu.memory_space<vmem>>) target_semaphore(%run_scoped3A_101 : memref<!tpu.dma_semaphore, #tpu.memory_space<semaphore_mem>>)
      %dma_wait3A_110 = arith.constant 0 : i32
      %dma_wait3A_111 = tpu.memref_slice %arg13[%run_scoped3A_23, %dma_wait3A_110] : memref<1x80xi32, #tpu.memory_space<vmem>> -> memref<1x80xi32, #tpu.memory_space<vmem>>
      %dma_wait3A_112 = tpu.memref_squeeze %dma_wait3A_111 : memref<1x80xi32, #tpu.memory_space<vmem>> -> memref<80xi32, #tpu.memory_space<vmem>>
      %dma_wait3A_113 = tpu.memref_slice %arg6[%add3A_22] : memref<320000xi32, #tpu.memory_space<hbm>> -> memref<80xi32, #tpu.memory_space<hbm>>
      %dma_wait3A_114 = arith.constant 0 : i32
      %dma_wait3A_115 = tpu.memref_slice %arg13[%run_scoped3A_23, %dma_wait3A_114] : memref<1x80xi32, #tpu.memory_space<vmem>> -> memref<1x80xi32, #tpu.memory_space<vmem>>
      %dma_wait3A_116 = tpu.memref_squeeze %dma_wait3A_115 : memref<1x80xi32, #tpu.memory_space<vmem>> -> memref<80xi32, #tpu.memory_space<vmem>>
      %dma_wait3A_117 = tpu.memref_slice %arg6[%add3A_22] : memref<320000xi32, #tpu.memory_space<hbm>> -> memref<80xi32, #tpu.memory_space<hbm>>
      tpu.wait_dma2 semaphore(%run_scoped3A_101 : memref<!tpu.dma_semaphore, #tpu.memory_space<semaphore_mem>>) src(%dma_wait3A_117 : memref<80xi32, #tpu.memory_space<hbm>>) dst(%dma_wait3A_116 : memref<80xi32, #tpu.memory_space<vmem>>)
      tpu.yield
    }) : () -> ()
    %dma_start3A = arith.constant 0 : i32
    %dma_start3A_24 = arith.constant 0 : i32
    %dma_start3A_25 = tpu.memref_slice %arg11[%dma_start3A, %dma_start3A_24] : memref<1x80xi32, #tpu.memory_space<vmem>> -> memref<1x80xi32, #tpu.memory_space<vmem>>
    %dma_start3A_26 = tpu.memref_squeeze %dma_start3A_25 : memref<1x80xi32, #tpu.memory_space<vmem>> -> memref<80xi32, #tpu.memory_space<vmem>>
    %dma_start3A_27 = arith.constant 0 : i32
    %dma_start3A_28 = arith.constant 0 : i32
    %dma_start3A_29 = tpu.memref_slice %arg2[%dma_start3A_27, %dma_start3A_28] : memref<10000x64xf32, #tpu.memory_space<hbm>> -> memref<10000x64xf32, #tpu.memory_space<hbm>>
    tpu.enqueue_indirect_dma source(%dma_start3A_29 : memref<10000x64xf32, #tpu.memory_space<hbm>>) target(%arg15 : memref<80x64xf32, #tpu.memory_space<vmem>>) offsets(%dma_start3A_26 : memref<80xi32, #tpu.memory_space<vmem>>) semaphore(%arg23 : memref<!tpu.dma_semaphore, #tpu.memory_space<semaphore_mem>>)
    %dma_start3A_30 = arith.constant 0 : i32
    %dma_start3A_31 = arith.constant 0 : i32
    %dma_start3A_32 = tpu.memref_slice %arg13[%dma_start3A_30, %dma_start3A_31] : memref<1x80xi32, #tpu.memory_space<vmem>> -> memref<1x80xi32, #tpu.memory_space<vmem>>
    %dma_start3A_33 = tpu.memref_squeeze %dma_start3A_32 : memref<1x80xi32, #tpu.memory_space<vmem>> -> memref<80xi32, #tpu.memory_space<vmem>>
    %dma_start3A_34 = arith.constant 0 : i32
    %dma_start3A_35 = arith.constant 0 : i32
    %dma_start3A_36 = tpu.memref_slice %arg3[%dma_start3A_34, %dma_start3A_35] : memref<10000x64xf32, #tpu.memory_space<hbm>> -> memref<10000x64xf32, #tpu.memory_space<hbm>>
    tpu.enqueue_indirect_dma source(%dma_start3A_36 : memref<10000x64xf32, #tpu.memory_space<hbm>>) target(%arg17 : memref<80x64xf32, #tpu.memory_space<vmem>>) offsets(%dma_start3A_33 : memref<80xi32, #tpu.memory_space<vmem>>) semaphore(%arg24 : memref<!tpu.dma_semaphore, #tpu.memory_space<semaphore_mem>>)
    %dma_start3A_37 = arith.constant 0 : i32
    %dma_start3A_38 = arith.constant 0 : i32
    %dma_start3A_39 = tpu.memref_slice %arg13[%dma_start3A_37, %dma_start3A_38] : memref<1x80xi32, #tpu.memory_space<vmem>> -> memref<1x80xi32, #tpu.memory_space<vmem>>
    %dma_start3A_40 = tpu.memref_squeeze %dma_start3A_39 : memref<1x80xi32, #tpu.memory_space<vmem>> -> memref<80xi32, #tpu.memory_space<vmem>>
    %dma_start3A_41 = arith.constant 0 : i32
    %dma_start3A_42 = arith.constant 0 : i32
    %dma_start3A_43 = tpu.memref_slice %arg4[%dma_start3A_41, %dma_start3A_42] : memref<10000x128xf32, #tpu.memory_space<hbm>> -> memref<10000x128xf32, #tpu.memory_space<hbm>>
    tpu.enqueue_indirect_dma source(%dma_start3A_43 : memref<10000x128xf32, #tpu.memory_space<hbm>>) target(%arg19 : memref<80x128xf32, #tpu.memory_space<vmem>>) offsets(%dma_start3A_40 : memref<80xi32, #tpu.memory_space<vmem>>) semaphore(%arg25 : memref<!tpu.dma_semaphore, #tpu.memory_space<semaphore_mem>>)
    %scan3A_44 = arith.constant 0 : i32
    %scan3A_45 = arith.constant 62 : i32
    %scan3A_46 = arith.addi %scan3A_44, %scan3A_45 : i32
    %scan3A_47 = arith.constant 1 : i32
    scf.for %scan3A_101 = %scan3A_44 to %scan3A_46 step %scan3A_47  : i32 {
      %mul3A_102 = arith.constant 2 : i32
      %mul3A_103 = arith.muli %scan3A_101, %mul3A_102 : i32
      %add3A_104 = arith.constant 0 : i32
      %add3A_105 = arith.addi %add3A_104, %mul3A_103 : i32
      %add3A_106 = arith.constant 1 : i32
      %add3A_107 = arith.addi %add3A_105, %add3A_106 : i32
      %ge3A = arith.constant 2 : i32
      %ge3A_108 = arith.cmpi sge, %add3A_107, %ge3A : i32
      %convert_element_type3A = arith.extui %ge3A_108 : i1 to i32
      %cond3A = arith.constant 0 : i32
      %cond3A_109 = arith.cmpi ne, %convert_element_type3A, %cond3A : i32
      scf.if %cond3A_109 {
        %dma_wait3A_235 = arith.constant 0 : i32
        %dma_wait3A_236 = arith.constant 0 : i32
        %dma_wait3A_237 = tpu.memref_slice %arg12[%dma_wait3A_235, %dma_wait3A_236] : memref<1x80xi32, #tpu.memory_space<vmem>> -> memref<1x80xi32, #tpu.memory_space<vmem>>
        %dma_wait3A_238 = tpu.memref_squeeze %dma_wait3A_237 : memref<1x80xi32, #tpu.memory_space<vmem>> -> memref<80xi32, #tpu.memory_space<vmem>>
        %dma_wait3A_239 = arith.constant 0 : i32
        %dma_wait3A_240 = arith.constant 0 : i32
        %dma_wait3A_241 = tpu.memref_slice %arg10[%dma_wait3A_239, %dma_wait3A_240] : memref<10000x128xf32, #tpu.memory_space<vmem_shared>> -> memref<10000x128xf32, #tpu.memory_space<vmem_shared>>
        tpu.wait_indirect_dma semaphore(%arg30 : memref<!tpu.dma_semaphore, #tpu.memory_space<semaphore_mem>>) src(%arg20 : memref<80x128xf32, #tpu.memory_space<vmem>>) dst(%dma_wait3A_241 : memref<10000x128xf32, #tpu.memory_space<vmem_shared>>)
      } else {
      }
      %mul3A_110 = arith.constant 80 : i32
      %mul3A_111 = arith.muli %add3A_107, %mul3A_110 : i32
      %add3A_112 = arith.addi %mul3A_2, %mul3A_111 : i32
      %run_scoped3A_113 = arith.constant 0 : i32
      "tpu.region"() ({
        %run_scoped3A_235 = tpu.sem_alloc : memref<!tpu.dma_semaphore, #tpu.memory_space<semaphore_mem>>
        %dma_start3A_236 = arith.constant 0 : i32
        %dma_start3A_237 = tpu.memref_slice %arg12[%run_scoped3A_113, %dma_start3A_236] : memref<1x80xi32, #tpu.memory_space<vmem>> -> memref<1x80xi32, #tpu.memory_space<vmem>>
        %dma_start3A_238 = tpu.memref_squeeze %dma_start3A_237 : memref<1x80xi32, #tpu.memory_space<vmem>> -> memref<80xi32, #tpu.memory_space<vmem>>
        %dma_start3A_239 = tpu.memref_slice %arg5[%add3A_112] : memref<320000xi32, #tpu.memory_space<hbm>> -> memref<80xi32, #tpu.memory_space<hbm>>
        %dma_start3A_240 = arith.constant 0 : i32
        %dma_start3A_241 = tpu.memref_slice %arg12[%run_scoped3A_113, %dma_start3A_240] : memref<1x80xi32, #tpu.memory_space<vmem>> -> memref<1x80xi32, #tpu.memory_space<vmem>>
        %dma_start3A_242 = tpu.memref_squeeze %dma_start3A_241 : memref<1x80xi32, #tpu.memory_space<vmem>> -> memref<80xi32, #tpu.memory_space<vmem>>
        %dma_start3A_243 = tpu.memref_slice %arg5[%add3A_112] : memref<320000xi32, #tpu.memory_space<hbm>> -> memref<80xi32, #tpu.memory_space<hbm>>
        tpu.enqueue_dma source(%dma_start3A_243 : memref<80xi32, #tpu.memory_space<hbm>>) target(%dma_start3A_242 : memref<80xi32, #tpu.memory_space<vmem>>) target_semaphore(%run_scoped3A_235 : memref<!tpu.dma_semaphore, #tpu.memory_space<semaphore_mem>>)
        %dma_wait3A_244 = arith.constant 0 : i32
        %dma_wait3A_245 = tpu.memref_slice %arg12[%run_scoped3A_113, %dma_wait3A_244] : memref<1x80xi32, #tpu.memory_space<vmem>> -> memref<1x80xi32, #tpu.memory_space<vmem>>
        %dma_wait3A_246 = tpu.memref_squeeze %dma_wait3A_245 : memref<1x80xi32, #tpu.memory_space<vmem>> -> memref<80xi32, #tpu.memory_space<vmem>>
        %dma_wait3A_247 = tpu.memref_slice %arg5[%add3A_112] : memref<320000xi32, #tpu.memory_space<hbm>> -> memref<80xi32, #tpu.memory_space<hbm>>
        %dma_wait3A_248 = arith.constant 0 : i32
        %dma_wait3A_249 = tpu.memref_slice %arg12[%run_scoped3A_113, %dma_wait3A_248] : memref<1x80xi32, #tpu.memory_space<vmem>> -> memref<1x80xi32, #tpu.memory_space<vmem>>
        %dma_wait3A_250 = tpu.memref_squeeze %dma_wait3A_249 : memref<1x80xi32, #tpu.memory_space<vmem>> -> memref<80xi32, #tpu.memory_space<vmem>>
        %dma_wait3A_251 = tpu.memref_slice %arg5[%add3A_112] : memref<320000xi32, #tpu.memory_space<hbm>> -> memref<80xi32, #tpu.memory_space<hbm>>
        tpu.wait_dma2 semaphore(%run_scoped3A_235 : memref<!tpu.dma_semaphore, #tpu.memory_space<semaphore_mem>>) src(%dma_wait3A_251 : memref<80xi32, #tpu.memory_space<hbm>>) dst(%dma_wait3A_250 : memref<80xi32, #tpu.memory_space<vmem>>)
        tpu.yield
      }) : () -> ()
      %run_scoped3A_114 = arith.constant 0 : i32
      "tpu.region"() ({
        %run_scoped3A_235 = tpu.sem_alloc : memref<!tpu.dma_semaphore, #tpu.memory_space<semaphore_mem>>
        %dma_start3A_236 = arith.constant 0 : i32
        %dma_start3A_237 = tpu.memref_slice %arg14[%run_scoped3A_114, %dma_start3A_236] : memref<1x80xi32, #tpu.memory_space<vmem>> -> memref<1x80xi32, #tpu.memory_space<vmem>>
        %dma_start3A_238 = tpu.memref_squeeze %dma_start3A_237 : memref<1x80xi32, #tpu.memory_space<vmem>> -> memref<80xi32, #tpu.memory_space<vmem>>
        %dma_start3A_239 = tpu.memref_slice %arg6[%add3A_112] : memref<320000xi32, #tpu.memory_space<hbm>> -> memref<80xi32, #tpu.memory_space<hbm>>
        %dma_start3A_240 = arith.constant 0 : i32
        %dma_start3A_241 = tpu.memref_slice %arg14[%run_scoped3A_114, %dma_start3A_240] : memref<1x80xi32, #tpu.memory_space<vmem>> -> memref<1x80xi32, #tpu.memory_space<vmem>>
        %dma_start3A_242 = tpu.memref_squeeze %dma_start3A_241 : memref<1x80xi32, #tpu.memory_space<vmem>> -> memref<80xi32, #tpu.memory_space<vmem>>
        %dma_start3A_243 = tpu.memref_slice %arg6[%add3A_112] : memref<320000xi32, #tpu.memory_space<hbm>> -> memref<80xi32, #tpu.memory_space<hbm>>
        tpu.enqueue_dma source(%dma_start3A_243 : memref<80xi32, #tpu.memory_space<hbm>>) target(%dma_start3A_242 : memref<80xi32, #tpu.memory_space<vmem>>) target_semaphore(%run_scoped3A_235 : memref<!tpu.dma_semaphore, #tpu.memory_space<semaphore_mem>>)
        %dma_wait3A_244 = arith.constant 0 : i32
        %dma_wait3A_245 = tpu.memref_slice %arg14[%run_scoped3A_114, %dma_wait3A_244] : memref<1x80xi32, #tpu.memory_space<vmem>> -> memref<1x80xi32, #tpu.memory_space<vmem>>
        %dma_wait3A_246 = tpu.memref_squeeze %dma_wait3A_245 : memref<1x80xi32, #tpu.memory_space<vmem>> -> memref<80xi32, #tpu.memory_space<vmem>>
        %dma_wait3A_247 = tpu.memref_slice %arg6[%add3A_112] : memref<320000xi32, #tpu.memory_space<hbm>> -> memref<80xi32, #tpu.memory_space<hbm>>
        %dma_wait3A_248 = arith.constant 0 : i32
        %dma_wait3A_249 = tpu.memref_slice %arg14[%run_scoped3A_114, %dma_wait3A_248] : memref<1x80xi32, #tpu.memory_space<vmem>> -> memref<1x80xi32, #tpu.memory_space<vmem>>
        %dma_wait3A_250 = tpu.memref_squeeze %dma_wait3A_249 : memref<1x80xi32, #tpu.memory_space<vmem>> -> memref<80xi32, #tpu.memory_space<vmem>>
        %dma_wait3A_251 = tpu.memref_slice %arg6[%add3A_112] : memref<320000xi32, #tpu.memory_space<hbm>> -> memref<80xi32, #tpu.memory_space<hbm>>
        tpu.wait_dma2 semaphore(%run_scoped3A_235 : memref<!tpu.dma_semaphore, #tpu.memory_space<semaphore_mem>>) src(%dma_wait3A_251 : memref<80xi32, #tpu.memory_space<hbm>>) dst(%dma_wait3A_250 : memref<80xi32, #tpu.memory_space<vmem>>)
        tpu.yield
      }) : () -> ()
      %dma_start3A_115 = arith.constant 0 : i32
      %dma_start3A_116 = arith.constant 0 : i32
      %dma_start3A_117 = tpu.memref_slice %arg12[%dma_start3A_115, %dma_start3A_116] : memref<1x80xi32, #tpu.memory_space<vmem>> -> memref<1x80xi32, #tpu.memory_space<vmem>>
      %dma_start3A_118 = tpu.memref_squeeze %dma_start3A_117 : memref<1x80xi32, #tpu.memory_space<vmem>> -> memref<80xi32, #tpu.memory_space<vmem>>
      %dma_start3A_119 = arith.constant 0 : i32
      %dma_start3A_120 = arith.constant 0 : i32
      %dma_start3A_121 = tpu.memref_slice %arg2[%dma_start3A_119, %dma_start3A_120] : memref<10000x64xf32, #tpu.memory_space<hbm>> -> memref<10000x64xf32, #tpu.memory_space<hbm>>
      tpu.enqueue_indirect_dma source(%dma_start3A_121 : memref<10000x64xf32, #tpu.memory_space<hbm>>) target(%arg16 : memref<80x64xf32, #tpu.memory_space<vmem>>) offsets(%dma_start3A_118 : memref<80xi32, #tpu.memory_space<vmem>>) semaphore(%arg27 : memref<!tpu.dma_semaphore, #tpu.memory_space<semaphore_mem>>)
      %dma_start3A_122 = arith.constant 0 : i32
      %dma_start3A_123 = arith.constant 0 : i32
      %dma_start3A_124 = tpu.memref_slice %arg14[%dma_start3A_122, %dma_start3A_123] : memref<1x80xi32, #tpu.memory_space<vmem>> -> memref<1x80xi32, #tpu.memory_space<vmem>>
      %dma_start3A_125 = tpu.memref_squeeze %dma_start3A_124 : memref<1x80xi32, #tpu.memory_space<vmem>> -> memref<80xi32, #tpu.memory_space<vmem>>
      %dma_start3A_126 = arith.constant 0 : i32
      %dma_start3A_127 = arith.constant 0 : i32
      %dma_start3A_128 = tpu.memref_slice %arg3[%dma_start3A_126, %dma_start3A_127] : memref<10000x64xf32, #tpu.memory_space<hbm>> -> memref<10000x64xf32, #tpu.memory_space<hbm>>
      tpu.enqueue_indirect_dma source(%dma_start3A_128 : memref<10000x64xf32, #tpu.memory_space<hbm>>) target(%arg18 : memref<80x64xf32, #tpu.memory_space<vmem>>) offsets(%dma_start3A_125 : memref<80xi32, #tpu.memory_space<vmem>>) semaphore(%arg28 : memref<!tpu.dma_semaphore, #tpu.memory_space<semaphore_mem>>)
      %dma_start3A_129 = arith.constant 0 : i32
      %dma_start3A_130 = arith.constant 0 : i32
      %dma_start3A_131 = tpu.memref_slice %arg14[%dma_start3A_129, %dma_start3A_130] : memref<1x80xi32, #tpu.memory_space<vmem>> -> memref<1x80xi32, #tpu.memory_space<vmem>>
      %dma_start3A_132 = tpu.memref_squeeze %dma_start3A_131 : memref<1x80xi32, #tpu.memory_space<vmem>> -> memref<80xi32, #tpu.memory_space<vmem>>
      %dma_start3A_133 = arith.constant 0 : i32
      %dma_start3A_134 = arith.constant 0 : i32
      %dma_start3A_135 = tpu.memref_slice %arg4[%dma_start3A_133, %dma_start3A_134] : memref<10000x128xf32, #tpu.memory_space<hbm>> -> memref<10000x128xf32, #tpu.memory_space<hbm>>
      tpu.enqueue_indirect_dma source(%dma_start3A_135 : memref<10000x128xf32, #tpu.memory_space<hbm>>) target(%arg20 : memref<80x128xf32, #tpu.memory_space<vmem>>) offsets(%dma_start3A_132 : memref<80xi32, #tpu.memory_space<vmem>>) semaphore(%arg29 : memref<!tpu.dma_semaphore, #tpu.memory_space<semaphore_mem>>)
      %dma_wait3A_136 = arith.constant 0 : i32
      %dma_wait3A_137 = arith.constant 0 : i32
      %dma_wait3A_138 = tpu.memref_slice %arg11[%dma_wait3A_136, %dma_wait3A_137] : memref<1x80xi32, #tpu.memory_space<vmem>> -> memref<1x80xi32, #tpu.memory_space<vmem>>
      %dma_wait3A_139 = tpu.memref_squeeze %dma_wait3A_138 : memref<1x80xi32, #tpu.memory_space<vmem>> -> memref<80xi32, #tpu.memory_space<vmem>>
      %dma_wait3A_140 = arith.constant 0 : i32
      %dma_wait3A_141 = arith.constant 0 : i32
      %dma_wait3A_142 = tpu.memref_slice %arg2[%dma_wait3A_140, %dma_wait3A_141] : memref<10000x64xf32, #tpu.memory_space<hbm>> -> memref<10000x64xf32, #tpu.memory_space<hbm>>
      tpu.wait_indirect_dma semaphore(%arg23 : memref<!tpu.dma_semaphore, #tpu.memory_space<semaphore_mem>>) src(%dma_wait3A_142 : memref<10000x64xf32, #tpu.memory_space<hbm>>) dst(%arg15 : memref<80x64xf32, #tpu.memory_space<vmem>>)
      %dma_wait3A_143 = arith.constant 0 : i32
      %dma_wait3A_144 = arith.constant 0 : i32
      %dma_wait3A_145 = tpu.memref_slice %arg13[%dma_wait3A_143, %dma_wait3A_144] : memref<1x80xi32, #tpu.memory_space<vmem>> -> memref<1x80xi32, #tpu.memory_space<vmem>>
      %dma_wait3A_146 = tpu.memref_squeeze %dma_wait3A_145 : memref<1x80xi32, #tpu.memory_space<vmem>> -> memref<80xi32, #tpu.memory_space<vmem>>
      %dma_wait3A_147 = arith.constant 0 : i32
      %dma_wait3A_148 = arith.constant 0 : i32
      %dma_wait3A_149 = tpu.memref_slice %arg3[%dma_wait3A_147, %dma_wait3A_148] : memref<10000x64xf32, #tpu.memory_space<hbm>> -> memref<10000x64xf32, #tpu.memory_space<hbm>>
      tpu.wait_indirect_dma semaphore(%arg24 : memref<!tpu.dma_semaphore, #tpu.memory_space<semaphore_mem>>) src(%dma_wait3A_149 : memref<10000x64xf32, #tpu.memory_space<hbm>>) dst(%arg17 : memref<80x64xf32, #tpu.memory_space<vmem>>)
      %dma_wait3A_150 = arith.constant 0 : i32
      %dma_wait3A_151 = arith.constant 0 : i32
      %dma_wait3A_152 = tpu.memref_slice %arg13[%dma_wait3A_150, %dma_wait3A_151] : memref<1x80xi32, #tpu.memory_space<vmem>> -> memref<1x80xi32, #tpu.memory_space<vmem>>
      %dma_wait3A_153 = tpu.memref_squeeze %dma_wait3A_152 : memref<1x80xi32, #tpu.memory_space<vmem>> -> memref<80xi32, #tpu.memory_space<vmem>>
      %dma_wait3A_154 = arith.constant 0 : i32
      %dma_wait3A_155 = arith.constant 0 : i32
      %dma_wait3A_156 = tpu.memref_slice %arg4[%dma_wait3A_154, %dma_wait3A_155] : memref<10000x128xf32, #tpu.memory_space<hbm>> -> memref<10000x128xf32, #tpu.memory_space<hbm>>
      tpu.wait_indirect_dma semaphore(%arg25 : memref<!tpu.dma_semaphore, #tpu.memory_space<semaphore_mem>>) src(%dma_wait3A_156 : memref<10000x128xf32, #tpu.memory_space<hbm>>) dst(%arg19 : memref<80x128xf32, #tpu.memory_space<vmem>>)
      %scan3A_157 = arith.constant 0 : i32
      %scan3A_158 = arith.constant 80 : i32
      %scan3A_159 = arith.addi %scan3A_157, %scan3A_158 : i32
      %scan3A_160 = arith.constant 1 : i32
      scf.for %scan3A_235 = %scan3A_157 to %scan3A_159 step %scan3A_160  : i32 {
        %mul3A_236 = arith.constant 1 : i32
        %mul3A_237 = arith.muli %scan3A_235, %mul3A_236 : i32
        %add3A_238 = arith.constant 0 : i32
        %add3A_239 = arith.addi %add3A_238, %mul3A_237 : i32
        %broadcast_in_dim3A = arith.constant 0.000000e+00 : f32
        %broadcast_in_dim3A_240 = vector.broadcast %broadcast_in_dim3A : f32 to vector<16xf32>
        %get3A_241 = arith.index_cast %add3A_239 : i32 to index
        %get3A_242 = arith.constant 0 : index
        %get3A_243 = tpu.vector_load %arg15[%get3A_241, %get3A_242] {strides = array<i32>} : memref<80x64xf32, #tpu.memory_space<vmem>>, vector<16xf32>,
        %get3A_244 = arith.index_cast %add3A_239 : i32 to index
        %get3A_245 = arith.constant 0 : index
        %get3A_246 = tpu.vector_load %arg17[%get3A_244, %get3A_245] {strides = array<i32>} : memref<80x64xf32, #tpu.memory_space<vmem>>, vector<16xf32>,
        %add3A_247 = arith.addf %get3A_243, %get3A_246 : vector<16xf32>
        %max3A = arith.constant 0.000000e+00 : f32
        %max3A_248 = vector.broadcast %max3A : f32 to vector<16xf32>
        %max3A_249 = arith.maximumf %add3A_247, %max3A_248 : vector<16xf32>
        %mul3A_250 = arith.mulf %max3A_249, %get3A_12 : vector<16xf32>
        %add3A_251 = arith.addf %broadcast_in_dim3A_240, %mul3A_250 : vector<16xf32>
        %get3A_252 = arith.index_cast %add3A_239 : i32 to index
        %get3A_253 = arith.constant 16 : index
        %get3A_254 = tpu.vector_load %arg15[%get3A_252, %get3A_253] {strides = array<i32>} : memref<80x64xf32, #tpu.memory_space<vmem>>, vector<16xf32>,
        %get3A_255 = arith.index_cast %add3A_239 : i32 to index
        %get3A_256 = arith.constant 16 : index
        %get3A_257 = tpu.vector_load %arg17[%get3A_255, %get3A_256] {strides = array<i32>} : memref<80x64xf32, #tpu.memory_space<vmem>>, vector<16xf32>,
        %add3A_258 = arith.addf %get3A_254, %get3A_257 : vector<16xf32>
        %max3A_259 = arith.constant 0.000000e+00 : f32
        %max3A_260 = vector.broadcast %max3A_259 : f32 to vector<16xf32>
        %max3A_261 = arith.maximumf %add3A_258, %max3A_260 : vector<16xf32>
        %mul3A_262 = arith.mulf %max3A_261, %get3A_14 : vector<16xf32>
        %add3A_263 = arith.addf %add3A_251, %mul3A_262 : vector<16xf32>
        %get3A_264 = arith.index_cast %add3A_239 : i32 to index
        %get3A_265 = arith.constant 32 : index
        %get3A_266 = tpu.vector_load %arg15[%get3A_264, %get3A_265] {strides = array<i32>} : memref<80x64xf32, #tpu.memory_space<vmem>>, vector<16xf32>,
        %get3A_267 = arith.index_cast %add3A_239 : i32 to index
        %get3A_268 = arith.constant 32 : index
        %get3A_269 = tpu.vector_load %arg17[%get3A_267, %get3A_268] {strides = array<i32>} : memref<80x64xf32, #tpu.memory_space<vmem>>, vector<16xf32>,
        %add3A_270 = arith.addf %get3A_266, %get3A_269 : vector<16xf32>
        %max3A_271 = arith.constant 0.000000e+00 : f32
        %max3A_272 = vector.broadcast %max3A_271 : f32 to vector<16xf32>
        %max3A_273 = arith.maximumf %add3A_270, %max3A_272 : vector<16xf32>
        %mul3A_274 = arith.mulf %max3A_273, %get3A_16 : vector<16xf32>
        %add3A_275 = arith.addf %add3A_263, %mul3A_274 : vector<16xf32>
        %get3A_276 = arith.index_cast %add3A_239 : i32 to index
        %get3A_277 = arith.constant 48 : index
        %get3A_278 = tpu.vector_load %arg15[%get3A_276, %get3A_277] {strides = array<i32>} : memref<80x64xf32, #tpu.memory_space<vmem>>, vector<16xf32>,
        %get3A_279 = arith.index_cast %add3A_239 : i32 to index
        %get3A_280 = arith.constant 48 : index
        %get3A_281 = tpu.vector_load %arg17[%get3A_279, %get3A_280] {strides = array<i32>} : memref<80x64xf32, #tpu.memory_space<vmem>>, vector<16xf32>,
        %add3A_282 = arith.addf %get3A_278, %get3A_281 : vector<16xf32>
        %max3A_283 = arith.constant 0.000000e+00 : f32
        %max3A_284 = vector.broadcast %max3A_283 : f32 to vector<16xf32>
        %max3A_285 = arith.maximumf %add3A_282, %max3A_284 : vector<16xf32>
        %mul3A_286 = arith.mulf %max3A_285, %get3A_18 : vector<16xf32>
        %add3A_287 = arith.addf %add3A_275, %mul3A_286 : vector<16xf32>
        %reduce_sum3A = arith.constant true
        %reduce_sum3A_288 = vector.broadcast %reduce_sum3A : i1 to vector<16xi1>
        %reduce_sum3A_289 = tpu.scan <sum>, %add3A_287 masked %reduce_sum3A_288 : vector<16xf32>, vector<16xi1> -> vector<16xf32>
        %reduce_sum3A_290 = vector.extract %reduce_sum3A_289[15] : f32 from vector<16xf32>
        %broadcast_in_dim3A_291 = vector.broadcast %reduce_sum3A_290 : f32 to vector<16xf32>
        %add3A_292 = arith.addf %broadcast_in_dim3A_291, %get3A_20 : vector<16xf32>
        %neg3A = arith.constant 0.000000e+00 : f32
        %neg3A_293 = vector.broadcast %neg3A : f32 to vector<16xf32>
        %neg3A_294 = arith.subf %neg3A_293, %add3A_292 : vector<16xf32>
        %exp3A = math.exp %neg3A_294 : vector<16xf32>
        %add3A_295 = arith.constant 1.000000e+00 : f32
        %add3A_296 = vector.broadcast %add3A_295 : f32 to vector<16xf32>
        %add3A_297 = arith.addf %add3A_296, %exp3A : vector<16xf32>
        %div3A = arith.constant 1.000000e+00 : f32
        %div3A_298 = vector.broadcast %div3A : f32 to vector<16xf32>
        %div3A_299 = arith.divf %div3A_298, %add3A_297 : vector<16xf32>
        %get3A_300 = arith.index_cast %add3A_239 : i32 to index
        %get3A_301 = arith.constant 0 : index
        %get3A_302 = tpu.vector_load %arg19[%get3A_300, %get3A_301] {strides = array<i32>} : memref<80x128xf32, #tpu.memory_space<vmem>>, vector<16xf32>,
        %mul3A_303 = arith.mulf %get3A_302, %div3A_299 : vector<16xf32>
        %swap3A = arith.index_cast %add3A_239 : i32 to index
        %swap3A_304 = arith.constant 0 : index
        %swap3A_305 = tpu.vector_load %arg19[%swap3A, %swap3A_304] {strides = array<i32>} : memref<80x128xf32, #tpu.memory_space<vmem>>, vector<16xf32>,
        tpu.vector_store %arg19[%swap3A, %swap3A_304], %mul3A_303 {strides = array<i32>} : memref<80x128xf32, #tpu.memory_space<vmem>>, vector<16xf32>,
        %get3A_306 = arith.index_cast %add3A_239 : i32 to index
        %get3A_307 = arith.constant 16 : index
        %get3A_308 = tpu.vector_load %arg19[%get3A_306, %get3A_307] {strides = array<i32>} : memref<80x128xf32, #tpu.memory_space<vmem>>, vector<16xf32>,
        %mul3A_309 = arith.mulf %get3A_308, %div3A_299 : vector<16xf32>
        %swap3A_310 = arith.index_cast %add3A_239 : i32 to index
        %swap3A_311 = arith.constant 16 : index
        %swap3A_312 = tpu.vector_load %arg19[%swap3A_310, %swap3A_311] {strides = array<i32>} : memref<80x128xf32, #tpu.memory_space<vmem>>, vector<16xf32>,
        tpu.vector_store %arg19[%swap3A_310, %swap3A_311], %mul3A_309 {strides = array<i32>} : memref<80x128xf32, #tpu.memory_space<vmem>>, vector<16xf32>,
        %get3A_313 = arith.index_cast %add3A_239 : i32 to index
        %get3A_314 = arith.constant 32 : index
        %get3A_315 = tpu.vector_load %arg19[%get3A_313, %get3A_314] {strides = array<i32>} : memref<80x128xf32, #tpu.memory_space<vmem>>, vector<16xf32>,
        %mul3A_316 = arith.mulf %get3A_315, %div3A_299 : vector<16xf32>
        %swap3A_317 = arith.index_cast %add3A_239 : i32 to index
        %swap3A_318 = arith.constant 32 : index
        %swap3A_319 = tpu.vector_load %arg19[%swap3A_317, %swap3A_318] {strides = array<i32>} : memref<80x128xf32, #tpu.memory_space<vmem>>, vector<16xf32>,
        tpu.vector_store %arg19[%swap3A_317, %swap3A_318], %mul3A_316 {strides = array<i32>} : memref<80x128xf32, #tpu.memory_space<vmem>>, vector<16xf32>,
        %get3A_320 = arith.index_cast %add3A_239 : i32 to index
        %get3A_321 = arith.constant 48 : index
        %get3A_322 = tpu.vector_load %arg19[%get3A_320, %get3A_321] {strides = array<i32>} : memref<80x128xf32, #tpu.memory_space<vmem>>, vector<16xf32>,
        %mul3A_323 = arith.mulf %get3A_322, %div3A_299 : vector<16xf32>
        %swap3A_324 = arith.index_cast %add3A_239 : i32 to index
        %swap3A_325 = arith.constant 48 : index
        %swap3A_326 = tpu.vector_load %arg19[%swap3A_324, %swap3A_325] {strides = array<i32>} : memref<80x128xf32, #tpu.memory_space<vmem>>, vector<16xf32>,
        tpu.vector_store %arg19[%swap3A_324, %swap3A_325], %mul3A_323 {strides = array<i32>} : memref<80x128xf32, #tpu.memory_space<vmem>>, vector<16xf32>,
        %get3A_327 = arith.index_cast %add3A_239 : i32 to index
        %get3A_328 = arith.constant 64 : index
        %get3A_329 = tpu.vector_load %arg19[%get3A_327, %get3A_328] {strides = array<i32>} : memref<80x128xf32, #tpu.memory_space<vmem>>, vector<16xf32>,
        %mul3A_330 = arith.mulf %get3A_329, %div3A_299 : vector<16xf32>
        %swap3A_331 = arith.index_cast %add3A_239 : i32 to index
        %swap3A_332 = arith.constant 64 : index
        %swap3A_333 = tpu.vector_load %arg19[%swap3A_331, %swap3A_332] {strides = array<i32>} : memref<80x128xf32, #tpu.memory_space<vmem>>, vector<16xf32>,
        tpu.vector_store %arg19[%swap3A_331, %swap3A_332], %mul3A_330 {strides = array<i32>} : memref<80x128xf32, #tpu.memory_space<vmem>>, vector<16xf32>,
        %get3A_334 = arith.index_cast %add3A_239 : i32 to index
        %get3A_335 = arith.constant 80 : index
        %get3A_336 = tpu.vector_load %arg19[%get3A_334, %get3A_335] {strides = array<i32>} : memref<80x128xf32, #tpu.memory_space<vmem>>, vector<16xf32>,
        %mul3A_337 = arith.mulf %get3A_336, %div3A_299 : vector<16xf32>
        %swap3A_338 = arith.index_cast %add3A_239 : i32 to index
        %swap3A_339 = arith.constant 80 : index
        %swap3A_340 = tpu.vector_load %arg19[%swap3A_338, %swap3A_339] {strides = array<i32>} : memref<80x128xf32, #tpu.memory_space<vmem>>, vector<16xf32>,
        tpu.vector_store %arg19[%swap3A_338, %swap3A_339], %mul3A_337 {strides = array<i32>} : memref<80x128xf32, #tpu.memory_space<vmem>>, vector<16xf32>,
        %get3A_341 = arith.index_cast %add3A_239 : i32 to index
        %get3A_342 = arith.constant 96 : index
        %get3A_343 = tpu.vector_load %arg19[%get3A_341, %get3A_342] {strides = array<i32>} : memref<80x128xf32, #tpu.memory_space<vmem>>, vector<16xf32>,
        %mul3A_344 = arith.mulf %get3A_343, %div3A_299 : vector<16xf32>
        %swap3A_345 = arith.index_cast %add3A_239 : i32 to index
        %swap3A_346 = arith.constant 96 : index
        %swap3A_347 = tpu.vector_load %arg19[%swap3A_345, %swap3A_346] {strides = array<i32>} : memref<80x128xf32, #tpu.memory_space<vmem>>, vector<16xf32>,
        tpu.vector_store %arg19[%swap3A_345, %swap3A_346], %mul3A_344 {strides = array<i32>} : memref<80x128xf32, #tpu.memory_space<vmem>>, vector<16xf32>,
        %get3A_348 = arith.index_cast %add3A_239 : i32 to index
        %get3A_349 = arith.constant 112 : index
        %get3A_350 = tpu.vector_load %arg19[%get3A_348, %get3A_349] {strides = array<i32>} : memref<80x128xf32, #tpu.memory_space<vmem>>, vector<16xf32>,
        %mul3A_351 = arith.mulf %get3A_350, %div3A_299 : vector<16xf32>
        %swap3A_352 = arith.index_cast %add3A_239 : i32 to index
        %swap3A_353 = arith.constant 112 : index
        %swap3A_354 = tpu.vector_load %arg19[%swap3A_352, %swap3A_353] {strides = array<i32>} : memref<80x128xf32, #tpu.memory_space<vmem>>, vector<16xf32>,
        tpu.vector_store %arg19[%swap3A_352, %swap3A_353], %mul3A_351 {strides = array<i32>} : memref<80x128xf32, #tpu.memory_space<vmem>>, vector<16xf32>,
      }
      %scan3A_161 = arith.constant 80 : i32
      %dma_start3A_162 = arith.constant 0 : i32
      %dma_start3A_163 = arith.constant 0 : i32
      %dma_start3A_164 = tpu.memref_slice %arg11[%dma_start3A_162, %dma_start3A_163] : memref<1x80xi32, #tpu.memory_space<vmem>> -> memref<1x80xi32, #tpu.memory_space<vmem>>
      %dma_start3A_165 = tpu.memref_squeeze %dma_start3A_164 : memref<1x80xi32, #tpu.memory_space<vmem>> -> memref<80xi32, #tpu.memory_space<vmem>>
      %dma_start3A_166 = arith.constant 0 : i32
      %dma_start3A_167 = arith.constant 0 : i32
      %dma_start3A_168 = tpu.memref_slice %arg10[%dma_start3A_166, %dma_start3A_167] : memref<10000x128xf32, #tpu.memory_space<vmem_shared>> -> memref<10000x128xf32, #tpu.memory_space<vmem_shared>>
      tpu.enqueue_indirect_dma source(%arg19 : memref<80x128xf32, #tpu.memory_space<vmem>>) target(%dma_start3A_168 : memref<10000x128xf32, #tpu.memory_space<vmem_shared>>) offsets(%dma_start3A_165 : memref<80xi32, #tpu.memory_space<vmem>>) semaphore(%arg26 : memref<!tpu.dma_semaphore, #tpu.memory_space<semaphore_mem>>) {add = true}
      %add3A_169 = arith.constant 2 : i32
      %add3A_170 = arith.addi %add3A_105, %add3A_169 : i32
      %ge3A_171 = arith.constant 2 : i32
      %ge3A_172 = arith.cmpi sge, %add3A_170, %ge3A_171 : i32
      %convert_element_type3A_173 = arith.extui %ge3A_172 : i1 to i32
      %cond3A_174 = arith.constant 0 : i32
      %cond3A_175 = arith.cmpi ne, %convert_element_type3A_173, %cond3A_174 : i32
      scf.if %cond3A_175 {
        %dma_wait3A_235 = arith.constant 0 : i32
        %dma_wait3A_236 = arith.constant 0 : i32
        %dma_wait3A_237 = tpu.memref_slice %arg11[%dma_wait3A_235, %dma_wait3A_236] : memref<1x80xi32, #tpu.memory_space<vmem>> -> memref<1x80xi32, #tpu.memory_space<vmem>>
        %dma_wait3A_238 = tpu.memref_squeeze %dma_wait3A_237 : memref<1x80xi32, #tpu.memory_space<vmem>> -> memref<80xi32, #tpu.memory_space<vmem>>
        %dma_wait3A_239 = arith.constant 0 : i32
        %dma_wait3A_240 = arith.constant 0 : i32
        %dma_wait3A_241 = tpu.memref_slice %arg10[%dma_wait3A_239, %dma_wait3A_240] : memref<10000x128xf32, #tpu.memory_space<vmem_shared>> -> memref<10000x128xf32, #tpu.memory_space<vmem_shared>>
        tpu.wait_indirect_dma semaphore(%arg26 : memref<!tpu.dma_semaphore, #tpu.memory_space<semaphore_mem>>) src(%arg19 : memref<80x128xf32, #tpu.memory_space<vmem>>) dst(%dma_wait3A_241 : memref<10000x128xf32, #tpu.memory_space<vmem_shared>>)
      } else {
      }
      %mul3A_176 = arith.constant 80 : i32
      %mul3A_177 = arith.muli %add3A_170, %mul3A_176 : i32
      %add3A_178 = arith.addi %mul3A_2, %mul3A_177 : i32
      %run_scoped3A_179 = arith.constant 0 : i32
      "tpu.region"() ({
        %run_scoped3A_235 = tpu.sem_alloc : memref<!tpu.dma_semaphore, #tpu.memory_space<semaphore_mem>>
        %dma_start3A_236 = arith.constant 0 : i32
        %dma_start3A_237 = tpu.memref_slice %arg11[%run_scoped3A_179, %dma_start3A_236] : memref<1x80xi32, #tpu.memory_space<vmem>> -> memref<1x80xi32, #tpu.memory_space<vmem>>
        %dma_start3A_238 = tpu.memref_squeeze %dma_start3A_237 : memref<1x80xi32, #tpu.memory_space<vmem>> -> memref<80xi32, #tpu.memory_space<vmem>>
        %dma_start3A_239 = tpu.memref_slice %arg5[%add3A_178] : memref<320000xi32, #tpu.memory_space<hbm>> -> memref<80xi32, #tpu.memory_space<hbm>>
        %dma_start3A_240 = arith.constant 0 : i32
        %dma_start3A_241 = tpu.memref_slice %arg11[%run_scoped3A_179, %dma_start3A_240] : memref<1x80xi32, #tpu.memory_space<vmem>> -> memref<1x80xi32, #tpu.memory_space<vmem>>
        %dma_start3A_242 = tpu.memref_squeeze %dma_start3A_241 : memref<1x80xi32, #tpu.memory_space<vmem>> -> memref<80xi32, #tpu.memory_space<vmem>>
        %dma_start3A_243 = tpu.memref_slice %arg5[%add3A_178] : memref<320000xi32, #tpu.memory_space<hbm>> -> memref<80xi32, #tpu.memory_space<hbm>>
        tpu.enqueue_dma source(%dma_start3A_243 : memref<80xi32, #tpu.memory_space<hbm>>) target(%dma_start3A_242 : memref<80xi32, #tpu.memory_space<vmem>>) target_semaphore(%run_scoped3A_235 : memref<!tpu.dma_semaphore, #tpu.memory_space<semaphore_mem>>)
        %dma_wait3A_244 = arith.constant 0 : i32
        %dma_wait3A_245 = tpu.memref_slice %arg11[%run_scoped3A_179, %dma_wait3A_244] : memref<1x80xi32, #tpu.memory_space<vmem>> -> memref<1x80xi32, #tpu.memory_space<vmem>>
        %dma_wait3A_246 = tpu.memref_squeeze %dma_wait3A_245 : memref<1x80xi32, #tpu.memory_space<vmem>> -> memref<80xi32, #tpu.memory_space<vmem>>
        %dma_wait3A_247 = tpu.memref_slice %arg5[%add3A_178] : memref<320000xi32, #tpu.memory_space<hbm>> -> memref<80xi32, #tpu.memory_space<hbm>>
        %dma_wait3A_248 = arith.constant 0 : i32
        %dma_wait3A_249 = tpu.memref_slice %arg11[%run_scoped3A_179, %dma_wait3A_248] : memref<1x80xi32, #tpu.memory_space<vmem>> -> memref<1x80xi32, #tpu.memory_space<vmem>>
        %dma_wait3A_250 = tpu.memref_squeeze %dma_wait3A_249 : memref<1x80xi32, #tpu.memory_space<vmem>> -> memref<80xi32, #tpu.memory_space<vmem>>
        %dma_wait3A_251 = tpu.memref_slice %arg5[%add3A_178] : memref<320000xi32, #tpu.memory_space<hbm>> -> memref<80xi32, #tpu.memory_space<hbm>>
        tpu.wait_dma2 semaphore(%run_scoped3A_235 : memref<!tpu.dma_semaphore, #tpu.memory_space<semaphore_mem>>) src(%dma_wait3A_251 : memref<80xi32, #tpu.memory_space<hbm>>) dst(%dma_wait3A_250 : memref<80xi32, #tpu.memory_space<vmem>>)
        tpu.yield
      }) : () -> ()
      %run_scoped3A_180 = arith.constant 0 : i32
      "tpu.region"() ({
        %run_scoped3A_235 = tpu.sem_alloc : memref<!tpu.dma_semaphore, #tpu.memory_space<semaphore_mem>>
        %dma_start3A_236 = arith.constant 0 : i32
        %dma_start3A_237 = tpu.memref_slice %arg13[%run_scoped3A_180, %dma_start3A_236] : memref<1x80xi32, #tpu.memory_space<vmem>> -> memref<1x80xi32, #tpu.memory_space<vmem>>
        %dma_start3A_238 = tpu.memref_squeeze %dma_start3A_237 : memref<1x80xi32, #tpu.memory_space<vmem>> -> memref<80xi32, #tpu.memory_space<vmem>>
        %dma_start3A_239 = tpu.memref_slice %arg6[%add3A_178] : memref<320000xi32, #tpu.memory_space<hbm>> -> memref<80xi32, #tpu.memory_space<hbm>>
        %dma_start3A_240 = arith.constant 0 : i32
        %dma_start3A_241 = tpu.memref_slice %arg13[%run_scoped3A_180, %dma_start3A_240] : memref<1x80xi32, #tpu.memory_space<vmem>> -> memref<1x80xi32, #tpu.memory_space<vmem>>
        %dma_start3A_242 = tpu.memref_squeeze %dma_start3A_241 : memref<1x80xi32, #tpu.memory_space<vmem>> -> memref<80xi32, #tpu.memory_space<vmem>>
        %dma_start3A_243 = tpu.memref_slice %arg6[%add3A_178] : memref<320000xi32, #tpu.memory_space<hbm>> -> memref<80xi32, #tpu.memory_space<hbm>>
        tpu.enqueue_dma source(%dma_start3A_243 : memref<80xi32, #tpu.memory_space<hbm>>) target(%dma_start3A_242 : memref<80xi32, #tpu.memory_space<vmem>>) target_semaphore(%run_scoped3A_235 : memref<!tpu.dma_semaphore, #tpu.memory_space<semaphore_mem>>)
        %dma_wait3A_244 = arith.constant 0 : i32
        %dma_wait3A_245 = tpu.memref_slice %arg13[%run_scoped3A_180, %dma_wait3A_244] : memref<1x80xi32, #tpu.memory_space<vmem>> -> memref<1x80xi32, #tpu.memory_space<vmem>>
        %dma_wait3A_246 = tpu.memref_squeeze %dma_wait3A_245 : memref<1x80xi32, #tpu.memory_space<vmem>> -> memref<80xi32, #tpu.memory_space<vmem>>
        %dma_wait3A_247 = tpu.memref_slice %arg6[%add3A_178] : memref<320000xi32, #tpu.memory_space<hbm>> -> memref<80xi32, #tpu.memory_space<hbm>>
        %dma_wait3A_248 = arith.constant 0 : i32
        %dma_wait3A_249 = tpu.memref_slice %arg13[%run_scoped3A_180, %dma_wait3A_248] : memref<1x80xi32, #tpu.memory_space<vmem>> -> memref<1x80xi32, #tpu.memory_space<vmem>>
        %dma_wait3A_250 = tpu.memref_squeeze %dma_wait3A_249 : memref<1x80xi32, #tpu.memory_space<vmem>> -> memref<80xi32, #tpu.memory_space<vmem>>
        %dma_wait3A_251 = tpu.memref_slice %arg6[%add3A_178] : memref<320000xi32, #tpu.memory_space<hbm>> -> memref<80xi32, #tpu.memory_space<hbm>>
        tpu.wait_dma2 semaphore(%run_scoped3A_235 : memref<!tpu.dma_semaphore, #tpu.memory_space<semaphore_mem>>) src(%dma_wait3A_251 : memref<80xi32, #tpu.memory_space<hbm>>) dst(%dma_wait3A_250 : memref<80xi32, #tpu.memory_space<vmem>>)
        tpu.yield
      }) : () -> ()
      %dma_start3A_181 = arith.constant 0 : i32
      %dma_start3A_182 = arith.constant 0 : i32
      %dma_start3A_183 = tpu.memref_slice %arg11[%dma_start3A_181, %dma_start3A_182] : memref<1x80xi32, #tpu.memory_space<vmem>> -> memref<1x80xi32, #tpu.memory_space<vmem>>
      %dma_start3A_184 = tpu.memref_squeeze %dma_start3A_183 : memref<1x80xi32, #tpu.memory_space<vmem>> -> memref<80xi32, #tpu.memory_space<vmem>>
      %dma_start3A_185 = arith.constant 0 : i32
      %dma_start3A_186 = arith.constant 0 : i32
      %dma_start3A_187 = tpu.memref_slice %arg2[%dma_start3A_185, %dma_start3A_186] : memref<10000x64xf32, #tpu.memory_space<hbm>> -> memref<10000x64xf32, #tpu.memory_space<hbm>>
      tpu.enqueue_indirect_dma source(%dma_start3A_187 : memref<10000x64xf32, #tpu.memory_space<hbm>>) target(%arg15 : memref<80x64xf32, #tpu.memory_space<vmem>>) offsets(%dma_start3A_184 : memref<80xi32, #tpu.memory_space<vmem>>) semaphore(%arg23 : memref<!tpu.dma_semaphore, #tpu.memory_space<semaphore_mem>>)
      %dma_start3A_188 = arith.constant 0 : i32
      %dma_start3A_189 = arith.constant 0 : i32
      %dma_start3A_190 = tpu.memref_slice %arg13[%dma_start3A_188, %dma_start3A_189] : memref<1x80xi32, #tpu.memory_space<vmem>> -> memref<1x80xi32, #tpu.memory_space<vmem>>
      %dma_start3A_191 = tpu.memref_squeeze %dma_start3A_190 : memref<1x80xi32, #tpu.memory_space<vmem>> -> memref<80xi32, #tpu.memory_space<vmem>>
      %dma_start3A_192 = arith.constant 0 : i32
      %dma_start3A_193 = arith.constant 0 : i32
      %dma_start3A_194 = tpu.memref_slice %arg3[%dma_start3A_192, %dma_start3A_193] : memref<10000x64xf32, #tpu.memory_space<hbm>> -> memref<10000x64xf32, #tpu.memory_space<hbm>>
      tpu.enqueue_indirect_dma source(%dma_start3A_194 : memref<10000x64xf32, #tpu.memory_space<hbm>>) target(%arg17 : memref<80x64xf32, #tpu.memory_space<vmem>>) offsets(%dma_start3A_191 : memref<80xi32, #tpu.memory_space<vmem>>) semaphore(%arg24 : memref<!tpu.dma_semaphore, #tpu.memory_space<semaphore_mem>>)
      %dma_start3A_195 = arith.constant 0 : i32
      %dma_start3A_196 = arith.constant 0 : i32
      %dma_start3A_197 = tpu.memref_slice %arg13[%dma_start3A_195, %dma_start3A_196] : memref<1x80xi32, #tpu.memory_space<vmem>> -> memref<1x80xi32, #tpu.memory_space<vmem>>
      %dma_start3A_198 = tpu.memref_squeeze %dma_start3A_197 : memref<1x80xi32, #tpu.memory_space<vmem>> -> memref<80xi32, #tpu.memory_space<vmem>>
      %dma_start3A_199 = arith.constant 0 : i32
      %dma_start3A_200 = arith.constant 0 : i32
      %dma_start3A_201 = tpu.memref_slice %arg4[%dma_start3A_199, %dma_start3A_200] : memref<10000x128xf32, #tpu.memory_space<hbm>> -> memref<10000x128xf32, #tpu.memory_space<hbm>>
      tpu.enqueue_indirect_dma source(%dma_start3A_201 : memref<10000x128xf32, #tpu.memory_space<hbm>>) target(%arg19 : memref<80x128xf32, #tpu.memory_space<vmem>>) offsets(%dma_start3A_198 : memref<80xi32, #tpu.memory_space<vmem>>) semaphore(%arg25 : memref<!tpu.dma_semaphore, #tpu.memory_space<semaphore_mem>>)
      %dma_wait3A_202 = arith.constant 0 : i32
      %dma_wait3A_203 = arith.constant 0 : i32
      %dma_wait3A_204 = tpu.memref_slice %arg12[%dma_wait3A_202, %dma_wait3A_203] : memref<1x80xi32, #tpu.memory_space<vmem>> -> memref<1x80xi32, #tpu.memory_space<vmem>>
      %dma_wait3A_205 = tpu.memref_squeeze %dma_wait3A_204 : memref<1x80xi32, #tpu.memory_space<vmem>> -> memref<80xi32, #tpu.memory_space<vmem>>
      %dma_wait3A_206 = arith.constant 0 : i32
      %dma_wait3A_207 = arith.constant 0 : i32
      %dma_wait3A_208 = tpu.memref_slice %arg2[%dma_wait3A_206, %dma_wait3A_207] : memref<10000x64xf32, #tpu.memory_space<hbm>> -> memref<10000x64xf32, #tpu.memory_space<hbm>>
      tpu.wait_indirect_dma semaphore(%arg27 : memref<!tpu.dma_semaphore, #tpu.memory_space<semaphore_mem>>) src(%dma_wait3A_208 : memref<10000x64xf32, #tpu.memory_space<hbm>>) dst(%arg16 : memref<80x64xf32, #tpu.memory_space<vmem>>)
      %dma_wait3A_209 = arith.constant 0 : i32
      %dma_wait3A_210 = arith.constant 0 : i32
      %dma_wait3A_211 = tpu.memref_slice %arg14[%dma_wait3A_209, %dma_wait3A_210] : memref<1x80xi32, #tpu.memory_space<vmem>> -> memref<1x80xi32, #tpu.memory_space<vmem>>
      %dma_wait3A_212 = tpu.memref_squeeze %dma_wait3A_211 : memref<1x80xi32, #tpu.memory_space<vmem>> -> memref<80xi32, #tpu.memory_space<vmem>>
      %dma_wait3A_213 = arith.constant 0 : i32
      %dma_wait3A_214 = arith.constant 0 : i32
      %dma_wait3A_215 = tpu.memref_slice %arg3[%dma_wait3A_213, %dma_wait3A_214] : memref<10000x64xf32, #tpu.memory_space<hbm>> -> memref<10000x64xf32, #tpu.memory_space<hbm>>
      tpu.wait_indirect_dma semaphore(%arg28 : memref<!tpu.dma_semaphore, #tpu.memory_space<semaphore_mem>>) src(%dma_wait3A_215 : memref<10000x64xf32, #tpu.memory_space<hbm>>) dst(%arg18 : memref<80x64xf32, #tpu.memory_space<vmem>>)
      %dma_wait3A_216 = arith.constant 0 : i32
      %dma_wait3A_217 = arith.constant 0 : i32
      %dma_wait3A_218 = tpu.memref_slice %arg14[%dma_wait3A_216, %dma_wait3A_217] : memref<1x80xi32, #tpu.memory_space<vmem>> -> memref<1x80xi32, #tpu.memory_space<vmem>>
      %dma_wait3A_219 = tpu.memref_squeeze %dma_wait3A_218 : memref<1x80xi32, #tpu.memory_space<vmem>> -> memref<80xi32, #tpu.memory_space<vmem>>
      %dma_wait3A_220 = arith.constant 0 : i32
      %dma_wait3A_221 = arith.constant 0 : i32
      %dma_wait3A_222 = tpu.memref_slice %arg4[%dma_wait3A_220, %dma_wait3A_221] : memref<10000x128xf32, #tpu.memory_space<hbm>> -> memref<10000x128xf32, #tpu.memory_space<hbm>>
      tpu.wait_indirect_dma semaphore(%arg29 : memref<!tpu.dma_semaphore, #tpu.memory_space<semaphore_mem>>) src(%dma_wait3A_222 : memref<10000x128xf32, #tpu.memory_space<hbm>>) dst(%arg20 : memref<80x128xf32, #tpu.memory_space<vmem>>)
      %scan3A_223 = arith.constant 0 : i32
      %scan3A_224 = arith.constant 80 : i32
      %scan3A_225 = arith.addi %scan3A_223, %scan3A_224 : i32
      %scan3A_226 = arith.constant 1 : i32
      scf.for %scan3A_235 = %scan3A_223 to %scan3A_225 step %scan3A_226  : i32 {
        %mul3A_236 = arith.constant 1 : i32
        %mul3A_237 = arith.muli %scan3A_235, %mul3A_236 : i32
        %add3A_238 = arith.constant 0 : i32
        %add3A_239 = arith.addi %add3A_238, %mul3A_237 : i32
        %broadcast_in_dim3A = arith.constant 0.000000e+00 : f32
        %broadcast_in_dim3A_240 = vector.broadcast %broadcast_in_dim3A : f32 to vector<16xf32>
        %get3A_241 = arith.index_cast %add3A_239 : i32 to index
        %get3A_242 = arith.constant 0 : index
        %get3A_243 = tpu.vector_load %arg16[%get3A_241, %get3A_242] {strides = array<i32>} : memref<80x64xf32, #tpu.memory_space<vmem>>, vector<16xf32>,
        %get3A_244 = arith.index_cast %add3A_239 : i32 to index
        %get3A_245 = arith.constant 0 : index
        %get3A_246 = tpu.vector_load %arg18[%get3A_244, %get3A_245] {strides = array<i32>} : memref<80x64xf32, #tpu.memory_space<vmem>>, vector<16xf32>,
        %add3A_247 = arith.addf %get3A_243, %get3A_246 : vector<16xf32>
        %max3A = arith.constant 0.000000e+00 : f32
        %max3A_248 = vector.broadcast %max3A : f32 to vector<16xf32>
        %max3A_249 = arith.maximumf %add3A_247, %max3A_248 : vector<16xf32>
        %mul3A_250 = arith.mulf %max3A_249, %get3A_12 : vector<16xf32>
        %add3A_251 = arith.addf %broadcast_in_dim3A_240, %mul3A_250 : vector<16xf32>
        %get3A_252 = arith.index_cast %add3A_239 : i32 to index
        %get3A_253 = arith.constant 16 : index
        %get3A_254 = tpu.vector_load %arg16[%get3A_252, %get3A_253] {strides = array<i32>} : memref<80x64xf32, #tpu.memory_space<vmem>>, vector<16xf32>,
        %get3A_255 = arith.index_cast %add3A_239 : i32 to index
        %get3A_256 = arith.constant 16 : index
        %get3A_257 = tpu.vector_load %arg18[%get3A_255, %get3A_256] {strides = array<i32>} : memref<80x64xf32, #tpu.memory_space<vmem>>, vector<16xf32>,
        %add3A_258 = arith.addf %get3A_254, %get3A_257 : vector<16xf32>
        %max3A_259 = arith.constant 0.000000e+00 : f32
        %max3A_260 = vector.broadcast %max3A_259 : f32 to vector<16xf32>
        %max3A_261 = arith.maximumf %add3A_258, %max3A_260 : vector<16xf32>
        %mul3A_262 = arith.mulf %max3A_261, %get3A_14 : vector<16xf32>
        %add3A_263 = arith.addf %add3A_251, %mul3A_262 : vector<16xf32>
        %get3A_264 = arith.index_cast %add3A_239 : i32 to index
        %get3A_265 = arith.constant 32 : index
        %get3A_266 = tpu.vector_load %arg16[%get3A_264, %get3A_265] {strides = array<i32>} : memref<80x64xf32, #tpu.memory_space<vmem>>, vector<16xf32>,
        %get3A_267 = arith.index_cast %add3A_239 : i32 to index
        %get3A_268 = arith.constant 32 : index
        %get3A_269 = tpu.vector_load %arg18[%get3A_267, %get3A_268] {strides = array<i32>} : memref<80x64xf32, #tpu.memory_space<vmem>>, vector<16xf32>,
        %add3A_270 = arith.addf %get3A_266, %get3A_269 : vector<16xf32>
        %max3A_271 = arith.constant 0.000000e+00 : f32
        %max3A_272 = vector.broadcast %max3A_271 : f32 to vector<16xf32>
        %max3A_273 = arith.maximumf %add3A_270, %max3A_272 : vector<16xf32>
        %mul3A_274 = arith.mulf %max3A_273, %get3A_16 : vector<16xf32>
        %add3A_275 = arith.addf %add3A_263, %mul3A_274 : vector<16xf32>
        %get3A_276 = arith.index_cast %add3A_239 : i32 to index
        %get3A_277 = arith.constant 48 : index
        %get3A_278 = tpu.vector_load %arg16[%get3A_276, %get3A_277] {strides = array<i32>} : memref<80x64xf32, #tpu.memory_space<vmem>>, vector<16xf32>,
        %get3A_279 = arith.index_cast %add3A_239 : i32 to index
        %get3A_280 = arith.constant 48 : index
        %get3A_281 = tpu.vector_load %arg18[%get3A_279, %get3A_280] {strides = array<i32>} : memref<80x64xf32, #tpu.memory_space<vmem>>, vector<16xf32>,
        %add3A_282 = arith.addf %get3A_278, %get3A_281 : vector<16xf32>
        %max3A_283 = arith.constant 0.000000e+00 : f32
        %max3A_284 = vector.broadcast %max3A_283 : f32 to vector<16xf32>
        %max3A_285 = arith.maximumf %add3A_282, %max3A_284 : vector<16xf32>
        %mul3A_286 = arith.mulf %max3A_285, %get3A_18 : vector<16xf32>
        %add3A_287 = arith.addf %add3A_275, %mul3A_286 : vector<16xf32>
        %reduce_sum3A = arith.constant true
        %reduce_sum3A_288 = vector.broadcast %reduce_sum3A : i1 to vector<16xi1>
        %reduce_sum3A_289 = tpu.scan <sum>, %add3A_287 masked %reduce_sum3A_288 : vector<16xf32>, vector<16xi1> -> vector<16xf32>
        %reduce_sum3A_290 = vector.extract %reduce_sum3A_289[15] : f32 from vector<16xf32>
        %broadcast_in_dim3A_291 = vector.broadcast %reduce_sum3A_290 : f32 to vector<16xf32>
        %add3A_292 = arith.addf %broadcast_in_dim3A_291, %get3A_20 : vector<16xf32>
        %neg3A = arith.constant 0.000000e+00 : f32
        %neg3A_293 = vector.broadcast %neg3A : f32 to vector<16xf32>
        %neg3A_294 = arith.subf %neg3A_293, %add3A_292 : vector<16xf32>
        %exp3A = math.exp %neg3A_294 : vector<16xf32>
        %add3A_295 = arith.constant 1.000000e+00 : f32
        %add3A_296 = vector.broadcast %add3A_295 : f32 to vector<16xf32>
        %add3A_297 = arith.addf %add3A_296, %exp3A : vector<16xf32>
        %div3A = arith.constant 1.000000e+00 : f32
        %div3A_298 = vector.broadcast %div3A : f32 to vector<16xf32>
        %div3A_299 = arith.divf %div3A_298, %add3A_297 : vector<16xf32>
        %get3A_300 = arith.index_cast %add3A_239 : i32 to index
        %get3A_301 = arith.constant 0 : index
        %get3A_302 = tpu.vector_load %arg20[%get3A_300, %get3A_301] {strides = array<i32>} : memref<80x128xf32, #tpu.memory_space<vmem>>, vector<16xf32>,
        %mul3A_303 = arith.mulf %get3A_302, %div3A_299 : vector<16xf32>
        %swap3A = arith.index_cast %add3A_239 : i32 to index
        %swap3A_304 = arith.constant 0 : index
        %swap3A_305 = tpu.vector_load %arg20[%swap3A, %swap3A_304] {strides = array<i32>} : memref<80x128xf32, #tpu.memory_space<vmem>>, vector<16xf32>,
        tpu.vector_store %arg20[%swap3A, %swap3A_304], %mul3A_303 {strides = array<i32>} : memref<80x128xf32, #tpu.memory_space<vmem>>, vector<16xf32>,
        %get3A_306 = arith.index_cast %add3A_239 : i32 to index
        %get3A_307 = arith.constant 16 : index
        %get3A_308 = tpu.vector_load %arg20[%get3A_306, %get3A_307] {strides = array<i32>} : memref<80x128xf32, #tpu.memory_space<vmem>>, vector<16xf32>,
        %mul3A_309 = arith.mulf %get3A_308, %div3A_299 : vector<16xf32>
        %swap3A_310 = arith.index_cast %add3A_239 : i32 to index
        %swap3A_311 = arith.constant 16 : index
        %swap3A_312 = tpu.vector_load %arg20[%swap3A_310, %swap3A_311] {strides = array<i32>} : memref<80x128xf32, #tpu.memory_space<vmem>>, vector<16xf32>,
        tpu.vector_store %arg20[%swap3A_310, %swap3A_311], %mul3A_309 {strides = array<i32>} : memref<80x128xf32, #tpu.memory_space<vmem>>, vector<16xf32>,
        %get3A_313 = arith.index_cast %add3A_239 : i32 to index
        %get3A_314 = arith.constant 32 : index
        %get3A_315 = tpu.vector_load %arg20[%get3A_313, %get3A_314] {strides = array<i32>} : memref<80x128xf32, #tpu.memory_space<vmem>>, vector<16xf32>,
        %mul3A_316 = arith.mulf %get3A_315, %div3A_299 : vector<16xf32>
        %swap3A_317 = arith.index_cast %add3A_239 : i32 to index
        %swap3A_318 = arith.constant 32 : index
        %swap3A_319 = tpu.vector_load %arg20[%swap3A_317, %swap3A_318] {strides = array<i32>} : memref<80x128xf32, #tpu.memory_space<vmem>>, vector<16xf32>,
        tpu.vector_store %arg20[%swap3A_317, %swap3A_318], %mul3A_316 {strides = array<i32>} : memref<80x128xf32, #tpu.memory_space<vmem>>, vector<16xf32>,
        %get3A_320 = arith.index_cast %add3A_239 : i32 to index
        %get3A_321 = arith.constant 48 : index
        %get3A_322 = tpu.vector_load %arg20[%get3A_320, %get3A_321] {strides = array<i32>} : memref<80x128xf32, #tpu.memory_space<vmem>>, vector<16xf32>,
        %mul3A_323 = arith.mulf %get3A_322, %div3A_299 : vector<16xf32>
        %swap3A_324 = arith.index_cast %add3A_239 : i32 to index
        %swap3A_325 = arith.constant 48 : index
        %swap3A_326 = tpu.vector_load %arg20[%swap3A_324, %swap3A_325] {strides = array<i32>} : memref<80x128xf32, #tpu.memory_space<vmem>>, vector<16xf32>,
        tpu.vector_store %arg20[%swap3A_324, %swap3A_325], %mul3A_323 {strides = array<i32>} : memref<80x128xf32, #tpu.memory_space<vmem>>, vector<16xf32>,
        %get3A_327 = arith.index_cast %add3A_239 : i32 to index
        %get3A_328 = arith.constant 64 : index
        %get3A_329 = tpu.vector_load %arg20[%get3A_327, %get3A_328] {strides = array<i32>} : memref<80x128xf32, #tpu.memory_space<vmem>>, vector<16xf32>,
        %mul3A_330 = arith.mulf %get3A_329, %div3A_299 : vector<16xf32>
        %swap3A_331 = arith.index_cast %add3A_239 : i32 to index
        %swap3A_332 = arith.constant 64 : index
        %swap3A_333 = tpu.vector_load %arg20[%swap3A_331, %swap3A_332] {strides = array<i32>} : memref<80x128xf32, #tpu.memory_space<vmem>>, vector<16xf32>,
        tpu.vector_store %arg20[%swap3A_331, %swap3A_332], %mul3A_330 {strides = array<i32>} : memref<80x128xf32, #tpu.memory_space<vmem>>, vector<16xf32>,
        %get3A_334 = arith.index_cast %add3A_239 : i32 to index
        %get3A_335 = arith.constant 80 : index
        %get3A_336 = tpu.vector_load %arg20[%get3A_334, %get3A_335] {strides = array<i32>} : memref<80x128xf32, #tpu.memory_space<vmem>>, vector<16xf32>,
        %mul3A_337 = arith.mulf %get3A_336, %div3A_299 : vector<16xf32>
        %swap3A_338 = arith.index_cast %add3A_239 : i32 to index
        %swap3A_339 = arith.constant 80 : index
        %swap3A_340 = tpu.vector_load %arg20[%swap3A_338, %swap3A_339] {strides = array<i32>} : memref<80x128xf32, #tpu.memory_space<vmem>>, vector<16xf32>,
        tpu.vector_store %arg20[%swap3A_338, %swap3A_339], %mul3A_337 {strides = array<i32>} : memref<80x128xf32, #tpu.memory_space<vmem>>, vector<16xf32>,
        %get3A_341 = arith.index_cast %add3A_239 : i32 to index
        %get3A_342 = arith.constant 96 : index
        %get3A_343 = tpu.vector_load %arg20[%get3A_341, %get3A_342] {strides = array<i32>} : memref<80x128xf32, #tpu.memory_space<vmem>>, vector<16xf32>,
        %mul3A_344 = arith.mulf %get3A_343, %div3A_299 : vector<16xf32>
        %swap3A_345 = arith.index_cast %add3A_239 : i32 to index
        %swap3A_346 = arith.constant 96 : index
        %swap3A_347 = tpu.vector_load %arg20[%swap3A_345, %swap3A_346] {strides = array<i32>} : memref<80x128xf32, #tpu.memory_space<vmem>>, vector<16xf32>,
        tpu.vector_store %arg20[%swap3A_345, %swap3A_346], %mul3A_344 {strides = array<i32>} : memref<80x128xf32, #tpu.memory_space<vmem>>, vector<16xf32>,
        %get3A_348 = arith.index_cast %add3A_239 : i32 to index
        %get3A_349 = arith.constant 112 : index
        %get3A_350 = tpu.vector_load %arg20[%get3A_348, %get3A_349] {strides = array<i32>} : memref<80x128xf32, #tpu.memory_space<vmem>>, vector<16xf32>,
        %mul3A_351 = arith.mulf %get3A_350, %div3A_299 : vector<16xf32>
        %swap3A_352 = arith.index_cast %add3A_239 : i32 to index
        %swap3A_353 = arith.constant 112 : index
        %swap3A_354 = tpu.vector_load %arg20[%swap3A_352, %swap3A_353] {strides = array<i32>} : memref<80x128xf32, #tpu.memory_space<vmem>>, vector<16xf32>,
        tpu.vector_store %arg20[%swap3A_352, %swap3A_353], %mul3A_351 {strides = array<i32>} : memref<80x128xf32, #tpu.memory_space<vmem>>, vector<16xf32>,
      }
      %scan3A_227 = arith.constant 80 : i32
      %dma_start3A_228 = arith.constant 0 : i32
      %dma_start3A_229 = arith.constant 0 : i32
      %dma_start3A_230 = tpu.memref_slice %arg12[%dma_start3A_228, %dma_start3A_229] : memref<1x80xi32, #tpu.memory_space<vmem>> -> memref<1x80xi32, #tpu.memory_space<vmem>>
      %dma_start3A_231 = tpu.memref_squeeze %dma_start3A_230 : memref<1x80xi32, #tpu.memory_space<vmem>> -> memref<80xi32, #tpu.memory_space<vmem>>
      %dma_start3A_232 = arith.constant 0 : i32
      %dma_start3A_233 = arith.constant 0 : i32
      %dma_start3A_234 = tpu.memref_slice %arg10[%dma_start3A_232, %dma_start3A_233] : memref<10000x128xf32, #tpu.memory_space<vmem_shared>> -> memref<10000x128xf32, #tpu.memory_space<vmem_shared>>
      tpu.enqueue_indirect_dma source(%arg20 : memref<80x128xf32, #tpu.memory_space<vmem>>) target(%dma_start3A_234 : memref<10000x128xf32, #tpu.memory_space<vmem_shared>>) offsets(%dma_start3A_231 : memref<80xi32, #tpu.memory_space<vmem>>) semaphore(%arg30 : memref<!tpu.dma_semaphore, #tpu.memory_space<semaphore_mem>>) {add = true}
    }
    %scan3A_48 = arith.constant 62 : i32
    %dma_wait3A = arith.constant 0 : i32
    %dma_wait3A_49 = arith.constant 0 : i32
    %dma_wait3A_50 = tpu.memref_slice %arg11[%dma_wait3A, %dma_wait3A_49] : memref<1x80xi32, #tpu.memory_space<vmem>> -> memref<1x80xi32, #tpu.memory_space<vmem>>
    %dma_wait3A_51 = tpu.memref_squeeze %dma_wait3A_50 : memref<1x80xi32, #tpu.memory_space<vmem>> -> memref<80xi32, #tpu.memory_space<vmem>>
    %dma_wait3A_52 = arith.constant 0 : i32
    %dma_wait3A_53 = arith.constant 0 : i32
    %dma_wait3A_54 = tpu.memref_slice %arg2[%dma_wait3A_52, %dma_wait3A_53] : memref<10000x64xf32, #tpu.memory_space<hbm>> -> memref<10000x64xf32, #tpu.memory_space<hbm>>
    tpu.wait_indirect_dma semaphore(%arg23 : memref<!tpu.dma_semaphore, #tpu.memory_space<semaphore_mem>>) src(%dma_wait3A_54 : memref<10000x64xf32, #tpu.memory_space<hbm>>) dst(%arg15 : memref<80x64xf32, #tpu.memory_space<vmem>>)
    %dma_wait3A_55 = arith.constant 0 : i32
    %dma_wait3A_56 = arith.constant 0 : i32
    %dma_wait3A_57 = tpu.memref_slice %arg13[%dma_wait3A_55, %dma_wait3A_56] : memref<1x80xi32, #tpu.memory_space<vmem>> -> memref<1x80xi32, #tpu.memory_space<vmem>>
    %dma_wait3A_58 = tpu.memref_squeeze %dma_wait3A_57 : memref<1x80xi32, #tpu.memory_space<vmem>> -> memref<80xi32, #tpu.memory_space<vmem>>
    %dma_wait3A_59 = arith.constant 0 : i32
    %dma_wait3A_60 = arith.constant 0 : i32
    %dma_wait3A_61 = tpu.memref_slice %arg3[%dma_wait3A_59, %dma_wait3A_60] : memref<10000x64xf32, #tpu.memory_space<hbm>> -> memref<10000x64xf32, #tpu.memory_space<hbm>>
    tpu.wait_indirect_dma semaphore(%arg24 : memref<!tpu.dma_semaphore, #tpu.memory_space<semaphore_mem>>) src(%dma_wait3A_61 : memref<10000x64xf32, #tpu.memory_space<hbm>>) dst(%arg17 : memref<80x64xf32, #tpu.memory_space<vmem>>)
    %dma_wait3A_62 = arith.constant 0 : i32
    %dma_wait3A_63 = arith.constant 0 : i32
    %dma_wait3A_64 = tpu.memref_slice %arg13[%dma_wait3A_62, %dma_wait3A_63] : memref<1x80xi32, #tpu.memory_space<vmem>> -> memref<1x80xi32, #tpu.memory_space<vmem>>
    %dma_wait3A_65 = tpu.memref_squeeze %dma_wait3A_64 : memref<1x80xi32, #tpu.memory_space<vmem>> -> memref<80xi32, #tpu.memory_space<vmem>>
    %dma_wait3A_66 = arith.constant 0 : i32
    %dma_wait3A_67 = arith.constant 0 : i32
    %dma_wait3A_68 = tpu.memref_slice %arg4[%dma_wait3A_66, %dma_wait3A_67] : memref<10000x128xf32, #tpu.memory_space<hbm>> -> memref<10000x128xf32, #tpu.memory_space<hbm>>
    tpu.wait_indirect_dma semaphore(%arg25 : memref<!tpu.dma_semaphore, #tpu.memory_space<semaphore_mem>>) src(%dma_wait3A_68 : memref<10000x128xf32, #tpu.memory_space<hbm>>) dst(%arg19 : memref<80x128xf32, #tpu.memory_space<vmem>>)
    %scan3A_69 = arith.constant 0 : i32
    %scan3A_70 = arith.constant 80 : i32
    %scan3A_71 = arith.addi %scan3A_69, %scan3A_70 : i32
    %scan3A_72 = arith.constant 1 : i32
    scf.for %scan3A_101 = %scan3A_69 to %scan3A_71 step %scan3A_72  : i32 {
      %mul3A_102 = arith.constant 1 : i32
      %mul3A_103 = arith.muli %scan3A_101, %mul3A_102 : i32
      %add3A_104 = arith.constant 0 : i32
      %add3A_105 = arith.addi %add3A_104, %mul3A_103 : i32
      %broadcast_in_dim3A = arith.constant 0.000000e+00 : f32
      %broadcast_in_dim3A_106 = vector.broadcast %broadcast_in_dim3A : f32 to vector<16xf32>
      %get3A_107 = arith.index_cast %add3A_105 : i32 to index
      %get3A_108 = arith.constant 0 : index
      %get3A_109 = tpu.vector_load %arg15[%get3A_107, %get3A_108] {strides = array<i32>} : memref<80x64xf32, #tpu.memory_space<vmem>>, vector<16xf32>,
      %get3A_110 = arith.index_cast %add3A_105 : i32 to index
      %get3A_111 = arith.constant 0 : index
      %get3A_112 = tpu.vector_load %arg17[%get3A_110, %get3A_111] {strides = array<i32>} : memref<80x64xf32, #tpu.memory_space<vmem>>, vector<16xf32>,
      %add3A_113 = arith.addf %get3A_109, %get3A_112 : vector<16xf32>
      %max3A = arith.constant 0.000000e+00 : f32
      %max3A_114 = vector.broadcast %max3A : f32 to vector<16xf32>
      %max3A_115 = arith.maximumf %add3A_113, %max3A_114 : vector<16xf32>
      %mul3A_116 = arith.mulf %max3A_115, %get3A_12 : vector<16xf32>
      %add3A_117 = arith.addf %broadcast_in_dim3A_106, %mul3A_116 : vector<16xf32>
      %get3A_118 = arith.index_cast %add3A_105 : i32 to index
      %get3A_119 = arith.constant 16 : index
      %get3A_120 = tpu.vector_load %arg15[%get3A_118, %get3A_119] {strides = array<i32>} : memref<80x64xf32, #tpu.memory_space<vmem>>, vector<16xf32>,
      %get3A_121 = arith.index_cast %add3A_105 : i32 to index
      %get3A_122 = arith.constant 16 : index
      %get3A_123 = tpu.vector_load %arg17[%get3A_121, %get3A_122] {strides = array<i32>} : memref<80x64xf32, #tpu.memory_space<vmem>>, vector<16xf32>,
      %add3A_124 = arith.addf %get3A_120, %get3A_123 : vector<16xf32>
      %max3A_125 = arith.constant 0.000000e+00 : f32
      %max3A_126 = vector.broadcast %max3A_125 : f32 to vector<16xf32>
      %max3A_127 = arith.maximumf %add3A_124, %max3A_126 : vector<16xf32>
      %mul3A_128 = arith.mulf %max3A_127, %get3A_14 : vector<16xf32>
      %add3A_129 = arith.addf %add3A_117, %mul3A_128 : vector<16xf32>
      %get3A_130 = arith.index_cast %add3A_105 : i32 to index
      %get3A_131 = arith.constant 32 : index
      %get3A_132 = tpu.vector_load %arg15[%get3A_130, %get3A_131] {strides = array<i32>} : memref<80x64xf32, #tpu.memory_space<vmem>>, vector<16xf32>,
      %get3A_133 = arith.index_cast %add3A_105 : i32 to index
      %get3A_134 = arith.constant 32 : index
      %get3A_135 = tpu.vector_load %arg17[%get3A_133, %get3A_134] {strides = array<i32>} : memref<80x64xf32, #tpu.memory_space<vmem>>, vector<16xf32>,
      %add3A_136 = arith.addf %get3A_132, %get3A_135 : vector<16xf32>
      %max3A_137 = arith.constant 0.000000e+00 : f32
      %max3A_138 = vector.broadcast %max3A_137 : f32 to vector<16xf32>
      %max3A_139 = arith.maximumf %add3A_136, %max3A_138 : vector<16xf32>
      %mul3A_140 = arith.mulf %max3A_139, %get3A_16 : vector<16xf32>
      %add3A_141 = arith.addf %add3A_129, %mul3A_140 : vector<16xf32>
      %get3A_142 = arith.index_cast %add3A_105 : i32 to index
      %get3A_143 = arith.constant 48 : index
      %get3A_144 = tpu.vector_load %arg15[%get3A_142, %get3A_143] {strides = array<i32>} : memref<80x64xf32, #tpu.memory_space<vmem>>, vector<16xf32>,
      %get3A_145 = arith.index_cast %add3A_105 : i32 to index
      %get3A_146 = arith.constant 48 : index
      %get3A_147 = tpu.vector_load %arg17[%get3A_145, %get3A_146] {strides = array<i32>} : memref<80x64xf32, #tpu.memory_space<vmem>>, vector<16xf32>,
      %add3A_148 = arith.addf %get3A_144, %get3A_147 : vector<16xf32>
      %max3A_149 = arith.constant 0.000000e+00 : f32
      %max3A_150 = vector.broadcast %max3A_149 : f32 to vector<16xf32>
      %max3A_151 = arith.maximumf %add3A_148, %max3A_150 : vector<16xf32>
      %mul3A_152 = arith.mulf %max3A_151, %get3A_18 : vector<16xf32>
      %add3A_153 = arith.addf %add3A_141, %mul3A_152 : vector<16xf32>
      %reduce_sum3A = arith.constant true
      %reduce_sum3A_154 = vector.broadcast %reduce_sum3A : i1 to vector<16xi1>
      %reduce_sum3A_155 = tpu.scan <sum>, %add3A_153 masked %reduce_sum3A_154 : vector<16xf32>, vector<16xi1> -> vector<16xf32>
      %reduce_sum3A_156 = vector.extract %reduce_sum3A_155[15] : f32 from vector<16xf32>
      %broadcast_in_dim3A_157 = vector.broadcast %reduce_sum3A_156 : f32 to vector<16xf32>
      %add3A_158 = arith.addf %broadcast_in_dim3A_157, %get3A_20 : vector<16xf32>
      %neg3A = arith.constant 0.000000e+00 : f32
      %neg3A_159 = vector.broadcast %neg3A : f32 to vector<16xf32>
      %neg3A_160 = arith.subf %neg3A_159, %add3A_158 : vector<16xf32>
      %exp3A = math.exp %neg3A_160 : vector<16xf32>
      %add3A_161 = arith.constant 1.000000e+00 : f32
      %add3A_162 = vector.broadcast %add3A_161 : f32 to vector<16xf32>
      %add3A_163 = arith.addf %add3A_162, %exp3A : vector<16xf32>
      %div3A = arith.constant 1.000000e+00 : f32
      %div3A_164 = vector.broadcast %div3A : f32 to vector<16xf32>
      %div3A_165 = arith.divf %div3A_164, %add3A_163 : vector<16xf32>
      %get3A_166 = arith.index_cast %add3A_105 : i32 to index
      %get3A_167 = arith.constant 0 : index
      %get3A_168 = tpu.vector_load %arg19[%get3A_166, %get3A_167] {strides = array<i32>} : memref<80x128xf32, #tpu.memory_space<vmem>>, vector<16xf32>,
      %mul3A_169 = arith.mulf %get3A_168, %div3A_165 : vector<16xf32>
      %swap3A = arith.index_cast %add3A_105 : i32 to index
      %swap3A_170 = arith.constant 0 : index
      %swap3A_171 = tpu.vector_load %arg19[%swap3A, %swap3A_170] {strides = array<i32>} : memref<80x128xf32, #tpu.memory_space<vmem>>, vector<16xf32>,
      tpu.vector_store %arg19[%swap3A, %swap3A_170], %mul3A_169 {strides = array<i32>} : memref<80x128xf32, #tpu.memory_space<vmem>>, vector<16xf32>,
      %get3A_172 = arith.index_cast %add3A_105 : i32 to index
      %get3A_173 = arith.constant 16 : index
      %get3A_174 = tpu.vector_load %arg19[%get3A_172, %get3A_173] {strides = array<i32>} : memref<80x128xf32, #tpu.memory_space<vmem>>, vector<16xf32>,
      %mul3A_175 = arith.mulf %get3A_174, %div3A_165 : vector<16xf32>
      %swap3A_176 = arith.index_cast %add3A_105 : i32 to index
      %swap3A_177 = arith.constant 16 : index
      %swap3A_178 = tpu.vector_load %arg19[%swap3A_176, %swap3A_177] {strides = array<i32>} : memref<80x128xf32, #tpu.memory_space<vmem>>, vector<16xf32>,
      tpu.vector_store %arg19[%swap3A_176, %swap3A_177], %mul3A_175 {strides = array<i32>} : memref<80x128xf32, #tpu.memory_space<vmem>>, vector<16xf32>,
      %get3A_179 = arith.index_cast %add3A_105 : i32 to index
      %get3A_180 = arith.constant 32 : index
      %get3A_181 = tpu.vector_load %arg19[%get3A_179, %get3A_180] {strides = array<i32>} : memref<80x128xf32, #tpu.memory_space<vmem>>, vector<16xf32>,
      %mul3A_182 = arith.mulf %get3A_181, %div3A_165 : vector<16xf32>
      %swap3A_183 = arith.index_cast %add3A_105 : i32 to index
      %swap3A_184 = arith.constant 32 : index
      %swap3A_185 = tpu.vector_load %arg19[%swap3A_183, %swap3A_184] {strides = array<i32>} : memref<80x128xf32, #tpu.memory_space<vmem>>, vector<16xf32>,
      tpu.vector_store %arg19[%swap3A_183, %swap3A_184], %mul3A_182 {strides = array<i32>} : memref<80x128xf32, #tpu.memory_space<vmem>>, vector<16xf32>,
      %get3A_186 = arith.index_cast %add3A_105 : i32 to index
      %get3A_187 = arith.constant 48 : index
      %get3A_188 = tpu.vector_load %arg19[%get3A_186, %get3A_187] {strides = array<i32>} : memref<80x128xf32, #tpu.memory_space<vmem>>, vector<16xf32>,
      %mul3A_189 = arith.mulf %get3A_188, %div3A_165 : vector<16xf32>
      %swap3A_190 = arith.index_cast %add3A_105 : i32 to index
      %swap3A_191 = arith.constant 48 : index
      %swap3A_192 = tpu.vector_load %arg19[%swap3A_190, %swap3A_191] {strides = array<i32>} : memref<80x128xf32, #tpu.memory_space<vmem>>, vector<16xf32>,
      tpu.vector_store %arg19[%swap3A_190, %swap3A_191], %mul3A_189 {strides = array<i32>} : memref<80x128xf32, #tpu.memory_space<vmem>>, vector<16xf32>,
      %get3A_193 = arith.index_cast %add3A_105 : i32 to index
      %get3A_194 = arith.constant 64 : index
      %get3A_195 = tpu.vector_load %arg19[%get3A_193, %get3A_194] {strides = array<i32>} : memref<80x128xf32, #tpu.memory_space<vmem>>, vector<16xf32>,
      %mul3A_196 = arith.mulf %get3A_195, %div3A_165 : vector<16xf32>
      %swap3A_197 = arith.index_cast %add3A_105 : i32 to index
      %swap3A_198 = arith.constant 64 : index
      %swap3A_199 = tpu.vector_load %arg19[%swap3A_197, %swap3A_198] {strides = array<i32>} : memref<80x128xf32, #tpu.memory_space<vmem>>, vector<16xf32>,
      tpu.vector_store %arg19[%swap3A_197, %swap3A_198], %mul3A_196 {strides = array<i32>} : memref<80x128xf32, #tpu.memory_space<vmem>>, vector<16xf32>,
      %get3A_200 = arith.index_cast %add3A_105 : i32 to index
      %get3A_201 = arith.constant 80 : index
      %get3A_202 = tpu.vector_load %arg19[%get3A_200, %get3A_201] {strides = array<i32>} : memref<80x128xf32, #tpu.memory_space<vmem>>, vector<16xf32>,
      %mul3A_203 = arith.mulf %get3A_202, %div3A_165 : vector<16xf32>
      %swap3A_204 = arith.index_cast %add3A_105 : i32 to index
      %swap3A_205 = arith.constant 80 : index
      %swap3A_206 = tpu.vector_load %arg19[%swap3A_204, %swap3A_205] {strides = array<i32>} : memref<80x128xf32, #tpu.memory_space<vmem>>, vector<16xf32>,
      tpu.vector_store %arg19[%swap3A_204, %swap3A_205], %mul3A_203 {strides = array<i32>} : memref<80x128xf32, #tpu.memory_space<vmem>>, vector<16xf32>,
      %get3A_207 = arith.index_cast %add3A_105 : i32 to index
      %get3A_208 = arith.constant 96 : index
      %get3A_209 = tpu.vector_load %arg19[%get3A_207, %get3A_208] {strides = array<i32>} : memref<80x128xf32, #tpu.memory_space<vmem>>, vector<16xf32>,
      %mul3A_210 = arith.mulf %get3A_209, %div3A_165 : vector<16xf32>
      %swap3A_211 = arith.index_cast %add3A_105 : i32 to index
      %swap3A_212 = arith.constant 96 : index
      %swap3A_213 = tpu.vector_load %arg19[%swap3A_211, %swap3A_212] {strides = array<i32>} : memref<80x128xf32, #tpu.memory_space<vmem>>, vector<16xf32>,
      tpu.vector_store %arg19[%swap3A_211, %swap3A_212], %mul3A_210 {strides = array<i32>} : memref<80x128xf32, #tpu.memory_space<vmem>>, vector<16xf32>,
      %get3A_214 = arith.index_cast %add3A_105 : i32 to index
      %get3A_215 = arith.constant 112 : index
      %get3A_216 = tpu.vector_load %arg19[%get3A_214, %get3A_215] {strides = array<i32>} : memref<80x128xf32, #tpu.memory_space<vmem>>, vector<16xf32>,
      %mul3A_217 = arith.mulf %get3A_216, %div3A_165 : vector<16xf32>
      %swap3A_218 = arith.index_cast %add3A_105 : i32 to index
      %swap3A_219 = arith.constant 112 : index
      %swap3A_220 = tpu.vector_load %arg19[%swap3A_218, %swap3A_219] {strides = array<i32>} : memref<80x128xf32, #tpu.memory_space<vmem>>, vector<16xf32>,
      tpu.vector_store %arg19[%swap3A_218, %swap3A_219], %mul3A_217 {strides = array<i32>} : memref<80x128xf32, #tpu.memory_space<vmem>>, vector<16xf32>,
    }
    %scan3A_73 = arith.constant 80 : i32
    %dma_start3A_74 = arith.constant 0 : i32
    %dma_start3A_75 = arith.constant 0 : i32
    %dma_start3A_76 = tpu.memref_slice %arg11[%dma_start3A_74, %dma_start3A_75] : memref<1x80xi32, #tpu.memory_space<vmem>> -> memref<1x80xi32, #tpu.memory_space<vmem>>
    %dma_start3A_77 = tpu.memref_squeeze %dma_start3A_76 : memref<1x80xi32, #tpu.memory_space<vmem>> -> memref<80xi32, #tpu.memory_space<vmem>>
    %dma_start3A_78 = arith.constant 0 : i32
    %dma_start3A_79 = arith.constant 0 : i32
    %dma_start3A_80 = tpu.memref_slice %arg10[%dma_start3A_78, %dma_start3A_79] : memref<10000x128xf32, #tpu.memory_space<vmem_shared>> -> memref<10000x128xf32, #tpu.memory_space<vmem_shared>>
    tpu.enqueue_indirect_dma source(%arg19 : memref<80x128xf32, #tpu.memory_space<vmem>>) target(%dma_start3A_80 : memref<10000x128xf32, #tpu.memory_space<vmem_shared>>) offsets(%dma_start3A_77 : memref<80xi32, #tpu.memory_space<vmem>>) semaphore(%arg26 : memref<!tpu.dma_semaphore, #tpu.memory_space<semaphore_mem>>) {add = true}
    %dma_wait3A_81 = arith.constant 0 : i32
    %dma_wait3A_82 = arith.constant 0 : i32
    %dma_wait3A_83 = tpu.memref_slice %arg12[%dma_wait3A_81, %dma_wait3A_82] : memref<1x80xi32, #tpu.memory_space<vmem>> -> memref<1x80xi32, #tpu.memory_space<vmem>>
    %dma_wait3A_84 = tpu.memref_squeeze %dma_wait3A_83 : memref<1x80xi32, #tpu.memory_space<vmem>> -> memref<80xi32, #tpu.memory_space<vmem>>
    %dma_wait3A_85 = arith.constant 0 : i32
    %dma_wait3A_86 = arith.constant 0 : i32
    %dma_wait3A_87 = tpu.memref_slice %arg10[%dma_wait3A_85, %dma_wait3A_86] : memref<10000x128xf32, #tpu.memory_space<vmem_shared>> -> memref<10000x128xf32, #tpu.memory_space<vmem_shared>>
    tpu.wait_indirect_dma semaphore(%arg30 : memref<!tpu.dma_semaphore, #tpu.memory_space<semaphore_mem>>) src(%arg20 : memref<80x128xf32, #tpu.memory_space<vmem>>) dst(%dma_wait3A_87 : memref<10000x128xf32, #tpu.memory_space<vmem_shared>>)
    %dma_wait3A_88 = arith.constant 0 : i32
    %dma_wait3A_89 = arith.constant 0 : i32
    %dma_wait3A_90 = tpu.memref_slice %arg11[%dma_wait3A_88, %dma_wait3A_89] : memref<1x80xi32, #tpu.memory_space<vmem>> -> memref<1x80xi32, #tpu.memory_space<vmem>>
    %dma_wait3A_91 = tpu.memref_squeeze %dma_wait3A_90 : memref<1x80xi32, #tpu.memory_space<vmem>> -> memref<80xi32, #tpu.memory_space<vmem>>
    %dma_wait3A_92 = arith.constant 0 : i32
    %dma_wait3A_93 = arith.constant 0 : i32
    %dma_wait3A_94 = tpu.memref_slice %arg10[%dma_wait3A_92, %dma_wait3A_93] : memref<10000x128xf32, #tpu.memory_space<vmem_shared>> -> memref<10000x128xf32, #tpu.memory_space<vmem_shared>>
    tpu.wait_indirect_dma semaphore(%arg26 : memref<!tpu.dma_semaphore, #tpu.memory_space<semaphore_mem>>) src(%arg19 : memref<80x128xf32, #tpu.memory_space<vmem>>) dst(%dma_wait3A_94 : memref<10000x128xf32, #tpu.memory_space<vmem_shared>>)
    %barrier3A_95 = arith.constant 0 : index
    tpu.barrier barrier_id(%barrier3A_95)
    %scan3A_96 = arith.constant 0 : i32
    %scan3A_97 = arith.constant 8 : i32
    %scan3A_98 = arith.addi %scan3A_96, %scan3A_97 : i32
    %scan3A_99 = arith.constant 1 : i32
    scf.for %scan3A_101 = %scan3A_96 to %scan3A_98 step %scan3A_99  : i32 {
      %mul3A_102 = arith.constant 1 : i32
      %mul3A_103 = arith.muli %scan3A_101, %mul3A_102 : i32
      %add3A_104 = arith.constant 0 : i32
      %add3A_105 = arith.addi %add3A_104, %mul3A_103 : i32
      %mul3A_106 = arith.constant 16 : i32
      %mul3A_107 = arith.muli %mul3A_106, %add3A_105 : i32
      %add3A_108 = arith.addi %arg1, %mul3A_107 : i32
      %lt3A = arith.constant 125 : i32
      %lt3A_109 = arith.cmpi slt, %add3A_108, %lt3A : i32
      %convert_element_type3A = arith.extui %lt3A_109 : i1 to i32
      %cond3A = arith.constant 0 : i32
      %cond3A_110 = arith.cmpi ne, %convert_element_type3A, %cond3A : i32
      scf.if %cond3A_110 {
        %mul3A_111 = arith.constant 80 : i32
        %mul3A_112 = arith.muli %add3A_108, %mul3A_111 : i32
        %mul3A_113 = arith.constant 80 : i32
        %mul3A_114 = arith.muli %add3A_108, %mul3A_113 : i32
        "tpu.region"() ({
          %run_scoped3A_115 = tpu.sem_alloc : memref<!tpu.dma_semaphore, #tpu.memory_space<semaphore_mem>>
          %dma_start3A_116 = arith.constant 0 : i32
          %dma_start3A_117 = tpu.memref_slice %arg9[%arg0, %mul3A_114, %dma_start3A_116] : memref<2x10000x128xf32, #tpu.memory_space<hbm>> -> memref<1x80x128xf32, #tpu.memory_space<hbm>>
          %dma_start3A_118 = tpu.memref_squeeze %dma_start3A_117 : memref<1x80x128xf32, #tpu.memory_space<hbm>> -> memref<80x128xf32, #tpu.memory_space<hbm>>
          %dma_start3A_119 = arith.constant 0 : i32
          %dma_start3A_120 = tpu.memref_slice %arg10[%mul3A_112, %dma_start3A_119] : memref<10000x128xf32, #tpu.memory_space<vmem_shared>> -> memref<80x128xf32, #tpu.memory_space<vmem_shared>>
          tpu.enqueue_dma source(%dma_start3A_120 : memref<80x128xf32, #tpu.memory_space<vmem_shared>>) target(%dma_start3A_118 : memref<80x128xf32, #tpu.memory_space<hbm>>) target_semaphore(%run_scoped3A_115 : memref<!tpu.dma_semaphore, #tpu.memory_space<semaphore_mem>>)
          %dma_wait3A_121 = arith.constant 0 : i32
          %dma_wait3A_122 = tpu.memref_slice %arg9[%arg0, %mul3A_114, %dma_wait3A_121] : memref<2x10000x128xf32, #tpu.memory_space<hbm>> -> memref<1x80x128xf32, #tpu.memory_space<hbm>>
          %dma_wait3A_123 = tpu.memref_squeeze %dma_wait3A_122 : memref<1x80x128xf32, #tpu.memory_space<hbm>> -> memref<80x128xf32, #tpu.memory_space<hbm>>
          %dma_wait3A_124 = arith.constant 0 : i32
          %dma_wait3A_125 = tpu.memref_slice %arg10[%mul3A_112, %dma_wait3A_124] : memref<10000x128xf32, #tpu.memory_space<vmem_shared>> -> memref<80x128xf32, #tpu.memory_space<vmem_shared>>
          tpu.wait_dma2 semaphore(%run_scoped3A_115 : memref<!tpu.dma_semaphore, #tpu.memory_space<semaphore_mem>>) src(%dma_wait3A_125 : memref<80x128xf32, #tpu.memory_space<vmem_shared>>) dst(%dma_wait3A_123 : memref<80x128xf32, #tpu.memory_space<hbm>>)
          tpu.yield
        }) : () -> ()
      } else {
      }
    }
    %scan3A_100 = arith.constant 8 : i32
    return
  }
}

module attributes {stable_mosaic.version = 14 : i64} {
  func.func @_project_kernel(%arg0: i32, %arg1: memref<1000x128xf32, #tpu.memory_space<vmem>>, %arg2: memref<128x64xf32, #tpu.memory_space<vmem>>, %arg3: memref<128x64xf32, #tpu.memory_space<vmem>>, %arg4: memref<1x64xf32, #tpu.memory_space<vmem>>, %arg5: memref<1000x64xf32, #tpu.memory_space<vmem>>, %arg6: memref<1000x64xf32, #tpu.memory_space<vmem>>) attributes {dimension_semantics = [#tpu.dimension_semantics<arbitrary>], iteration_bounds = array<i64: 10>, scalar_prefetch = 0 : i64, scratch_operands = 0 : i64, tpu.core_type = #tpu.core_type<tc>, window_params = [{transform_indices = @transform_0, window_bounds = array<i64: 1000, 128>}, {pipeline_mode = #tpu.pipeline_mode<synchronous>, transform_indices = @transform_1, window_bounds = array<i64: 128, 64>}, {pipeline_mode = #tpu.pipeline_mode<synchronous>, transform_indices = @transform_2, window_bounds = array<i64: 128, 64>}, {pipeline_mode = #tpu.pipeline_mode<synchronous>, transform_indices = @transform_3, window_bounds = array<i64: 1, 64>}, {transform_indices = @transform_4, window_bounds = array<i64: 1000, 64>}, {transform_indices = @transform_5, window_bounds = array<i64: 1000, 64>}]} {
    %get3A = arith.constant 0 : index
    %get3A_0 = arith.constant 0 : index
    %get3A_1 = vector.load %arg1[%get3A, %get3A_0] : memref<1000x128xf32, #tpu.memory_space<vmem>>, vector<1000x128xf32>
    %get3A_2 = arith.constant 0 : index
    %get3A_3 = arith.constant 0 : index
    %get3A_4 = vector.load %arg2[%get3A_2, %get3A_3] : memref<128x64xf32, #tpu.memory_space<vmem>>, vector<128x64xf32>
    %dot_general3A = arith.constant dense<0.000000e+00> : vector<1000x64xf32>
    %dot_general3A_5 = tpu.matmul %get3A_1, %get3A_4, %dot_general3A {dimension_numbers = #tpu.dot_dimension_numbers<[1], [0], [0], [1], [0, 0, 1, 1], [], []>, transpose_lhs_hint = false} : vector<1000x128xf32>, vector<128x64xf32>, vector<1000x64xf32> -> vector<1000x64xf32>
    %get3A_6 = arith.constant 0 : index
    %get3A_7 = arith.constant 0 : index
    %get3A_8 = vector.load %arg4[%get3A_6, %get3A_7] : memref<1x64xf32, #tpu.memory_space<vmem>>, vector<1x64xf32>
    %add3A = vector.broadcast %get3A_8 : vector<1x64xf32> to vector<1000x64xf32>
    %add3A_9 = arith.addf %dot_general3A_5, %add3A : vector<1000x64xf32>
    %swap3A = arith.constant 0 : index
    %swap3A_10 = arith.constant 0 : index
    %swap3A_11 = vector.load %arg5[%swap3A, %swap3A_10] : memref<1000x64xf32, #tpu.memory_space<vmem>>, vector<1000x64xf32>
    tpu.vector_store %arg5[%swap3A, %swap3A_10], %add3A_9 {strides = array<i32>} : memref<1000x64xf32, #tpu.memory_space<vmem>>, vector<1000x64xf32>,
    %get3A_12 = arith.constant 0 : index
    %get3A_13 = arith.constant 0 : index
    %get3A_14 = vector.load %arg3[%get3A_12, %get3A_13] : memref<128x64xf32, #tpu.memory_space<vmem>>, vector<128x64xf32>
    %dot_general3A_15 = arith.constant dense<0.000000e+00> : vector<1000x64xf32>
    %dot_general3A_16 = tpu.matmul %get3A_1, %get3A_14, %dot_general3A_15 {dimension_numbers = #tpu.dot_dimension_numbers<[1], [0], [0], [1], [0, 0, 1, 1], [], []>, transpose_lhs_hint = false} : vector<1000x128xf32>, vector<128x64xf32>, vector<1000x64xf32> -> vector<1000x64xf32>
    %swap3A_17 = arith.constant 0 : index
    %swap3A_18 = arith.constant 0 : index
    %swap3A_19 = vector.load %arg6[%swap3A_17, %swap3A_18] : memref<1000x64xf32, #tpu.memory_space<vmem>>, vector<1000x64xf32>
    tpu.vector_store %arg6[%swap3A_17, %swap3A_18], %dot_general3A_16 {strides = array<i32>} : memref<1000x64xf32, #tpu.memory_space<vmem>>, vector<1000x64xf32>,
    return
  }
  func.func @transform_0(%arg0: i32) -> (i32, i32) {
    %c0_i32 = arith.constant 0 : i32
    %c0_i32_0 = arith.constant 0 : i32
    return %arg0, %c0_i32 : i32, i32
  }
  func.func @transform_1(%arg0: i32) -> (i32, i32) {
    %c0_i32 = arith.constant 0 : i32
    %c0_i32_0 = arith.constant 0 : i32
    %c0_i32_1 = arith.constant 0 : i32
    return %c0_i32, %c0_i32_0 : i32, i32
  }
  func.func @transform_2(%arg0: i32) -> (i32, i32) {
    %c0_i32 = arith.constant 0 : i32
    %c0_i32_0 = arith.constant 0 : i32
    %c0_i32_1 = arith.constant 0 : i32
    return %c0_i32, %c0_i32_0 : i32, i32
  }
  func.func @transform_3(%arg0: i32) -> (i32, i32) {
    %c0_i32 = arith.constant 0 : i32
    %c0_i32_0 = arith.constant 0 : i32
    %c0_i32_1 = arith.constant 0 : i32
    return %c0_i32, %c0_i32_0 : i32, i32
  }
  func.func @transform_4(%arg0: i32) -> (i32, i32) {
    %c0_i32 = arith.constant 0 : i32
    %c0_i32_0 = arith.constant 0 : i32
    return %arg0, %c0_i32 : i32, i32
  }
  func.func @transform_5(%arg0: i32) -> (i32, i32) {
    %c0_i32 = arith.constant 0 : i32
    %c0_i32_0 = arith.constant 0 : i32
    return %arg0, %c0_i32 : i32, i32
  }
}

module attributes {stable_mosaic.version = 14 : i64} {
  func.func @_combine_kernel(%arg0: i32, %arg1: memref<2x1000x128xf32, #tpu.memory_space<vmem>>, %arg2: memref<1000x128xf32, #tpu.memory_space<vmem>>) attributes {dimension_semantics = [#tpu.dimension_semantics<arbitrary>], iteration_bounds = array<i64: 10>, scalar_prefetch = 0 : i64, scratch_operands = 0 : i64, tpu.core_type = #tpu.core_type<tc>, window_params = [{transform_indices = @transform_0, window_bounds = array<i64: 2, 1000, 128>}, {transform_indices = @transform_1, window_bounds = array<i64: 1000, 128>}]} {
    %get3A = arith.constant 0 : index
    %get3A_0 = arith.constant 0 : index
    %get3A_1 = arith.constant 0 : index
    %get3A_2 = vector.load %arg1[%get3A, %get3A_0, %get3A_1] : memref<2x1000x128xf32, #tpu.memory_space<vmem>>, vector<1x1000x128xf32>
    %get3A_3 = vector.shape_cast %get3A_2 : vector<1x1000x128xf32> to vector<1000x128xf32>
    %get3A_4 = arith.constant 1 : index
    %get3A_5 = arith.constant 0 : index
    %get3A_6 = arith.constant 0 : index
    %get3A_7 = vector.load %arg1[%get3A_4, %get3A_5, %get3A_6] : memref<2x1000x128xf32, #tpu.memory_space<vmem>>, vector<1x1000x128xf32>
    %get3A_8 = vector.shape_cast %get3A_7 : vector<1x1000x128xf32> to vector<1000x128xf32>
    %add3A = arith.addf %get3A_3, %get3A_8 : vector<1000x128xf32>
    %swap3A = arith.constant 0 : index
    %swap3A_9 = arith.constant 0 : index
    %swap3A_10 = vector.load %arg2[%swap3A, %swap3A_9] : memref<1000x128xf32, #tpu.memory_space<vmem>>, vector<1000x128xf32>
    tpu.vector_store %arg2[%swap3A, %swap3A_9], %add3A {strides = array<i32>} : memref<1000x128xf32, #tpu.memory_space<vmem>>, vector<1000x128xf32>,
    return
  }
  func.func @transform_0(%arg0: i32) -> (i32, i32, i32) {
    %c0_i32 = arith.constant 0 : i32
    %c0_i32_0 = arith.constant 0 : i32
    %c0_i32_1 = arith.constant 0 : i32
    return %c0_i32, %arg0, %c0_i32_0 : i32, i32, i32
  }
  func.func @transform_1(%arg0: i32) -> (i32, i32) {
    %c0_i32 = arith.constant 0 : i32
    %c0_i32_0 = arith.constant 0 : i32
    return %arg0, %c0_i32 : i32, i32
  }
}

</mosaic_0001>

<sc_bundles>
// kernel: kernel.5.cloned.1.call-start
scs
__scs_entry_jumppad:
0x0: {  	(pc) =	sbr.rel $0x88, $3  }
0x1: {  	(tag) =	ssettag $0x0;
	lr =	simm.s32 $0x1  }
0x2: {  	[smem:$0x3F9A] =	sst lr;
	_ =	strace $0xD0000000  }
0x3: {  	_ = 	snop  }
0x4: {  	_ = 	snop  }
0x5: {  	_ = 	snop  }
0x6: {  	_ = 	snop  }
0x7: {  	_ = 	snop  }
__scs_overlays_trampoline_lowered:
0x8: {  	[smem:$0x3FA9] =	sst s0  }
0x9: {  	[smem:$0x3FAA] =	sst s1  }
0xa: {  	[smem:$0x3FAB] =	sst s2  }
0xb: {  	[smem:$0x3FAC] =	sst s3  }
0xc: {  	[smem:$0x3FAD] =	sst s4  }
0xd: {  	[smem:$0x3FAE] =	sst s5  }
0xe: {  	[smem:$0x3FAF] =	sst s6  }
0xf: {  	[smem:$0x3FB0] =	sst s7  }
0x10: {  	[smem:$0x3FB1] =	sst s8  }
0x11: {  	[smem:$0x3FB2] =	sst s9;
	s0 =	simm.s32 @!p0 $0x0  }
0x12: {  	s1 =	sld [smem:$0x3F98];
	s0 =	simm.s32 @p0 $0x1  }
0x13: {  	[smem:$0x3FB3] =	sst s0;
	s0 =	simm.s32 @!p1 $0x0  }
0x14: {  	s2 =	sld [smem:$0x3F97];
	s0 =	simm.s32 @p1 $0x1  }
0x15: {  	[smem:$0x3FB4] =	sst s0;
	s0 =	simm.s32 @!p2 $0x0  }
0x16: {  	s3 =	sld [smem:$0x3FDB];
	s0 =	simm.s32 @p2 $0x1  }
0x17: {  	s4 =	simm.s32 $0x1BF5;
	[smem:$0x3FB6] =	sst s0  }
0x18: {  	s0 =	sld [smem:$0x3F99];
	_ =	swait.ge [sflag:s4], $0x0  }
0x19: {  	s7 =	sld [smem:$0x3F9A]  }
0x1a: {  	s8 =	sadd.s32 $0xFFFFE003, lr  }
0x1b: {  	s9 =	sadd.s32 $0xFFFFFEF7, lr;
	s5 =	simm.s32 $0xFFFFFFFF;
	p2 =	slt.u32 s8, $0xFFFFF086  }
0x1c: {  	p1 =	slt.u32 s9, $0xF7A;
	s5 =	simm.s32 @!p2 $0x0  }
0x1d: {  	s5 =	simm.s32 @p1 $0x1;
	p0 =	seq.s32 s7, s2  }
0x1e: {  	s7 =	smul.u32 @!p0 $0xF7A, s2;
	p2 =	seq.s32 @!p0 s5, $0x0  }
0x1f: {  	s9 =	smul.u32 $0xF7A, s1;
	s8 =	simm.s32 @!p0 $0x1BF5;
	p2 =	por !p2, p0  }
0x20: {  	[sflag:s8] =	ssyncset.s32 @!p0 $0xFFFFF086;
	s6 =	sadd.s32 @!p0 s3, s7;
	s7 =	simm.s32 @!p0 $0x108  }
0x21: {  	s3 =	sadd.s32 s3, s9;
	s6 =	sadd.s32 @!p0 $0x88, s6;
	s7 =	simm.s32 @p2 $0x1082  }
0x22: {  	[simem:s7], [sflag:s8] =	dma.local @!p0 [hbm:s6], $0xF7A  }
0x23: {  	s9 =	sor.u32 $0xD0000000, s2;
	s6 =	simm.s32 $0x108;
	_ =	swait.ge @!p0 [sflag:s8], $0x0  }
0x24: {  	s3 =	sadd.s32 $0x88, s3;
	s6 =	simm.s32 @!p1 $0x1082;
	[sflag:s4] =	ssyncset.s32 $0xFFFFF086  }
0x25: {  	[simem:s6], [sflag:s4] =	dma.local [hbm:s3], $0xF7A  }
0x26: {  	[smem:$0x3F9A] =	sst s1;
	(tag) =	ssettag s2;
	_ =	strace s9  }
0x27: {  	s1 =	sld [smem:$0x3FAA]  }
0x28: {  	s2 =	sld [smem:$0x3FAB]  }
0x29: {  	s4 =	sld [smem:$0x3FAD]  }
0x2a: {  	p0 =	seq.s32 s5, $0x0;
	s5 =	sld [smem:$0x3FAE]  }
0x2b: {  	s6 =	sld [smem:$0x3FAF]  }
0x2c: {  	s7 =	sld [smem:$0x3FB0]  }
0x2d: {  	s3 =	simm.s32 $0x108;
	s8 =	sld [smem:$0x3FB1]  }
0x2e: {  	s3 =	simm.s32 @!p0 $0x1082;
	s9 =	sld [smem:$0x3FB2]  }
0x2f: {  	lr =	sadd.s32 s0, s3;
	s0 =	sld [smem:$0x3FA9]  }
0x30: {  	s3 =	sld [smem:$0x3FAC]  }
0x31: {  	[smem:$0x3FB5] =	sst s10  }
0x32: {  	s10 =	sld [smem:$0x3FB3];
	_ =	sdelay $0x3  }
0x33: {  	p0 =	seq.s32 s10, $0x1;
	s10 =	sld [smem:$0x3FB5];
	_ =	sdelay $0x3  }
0x34: {  	[smem:$0x3FB5] =	sst s10  }
0x35: {  	s10 =	sld [smem:$0x3FB4];
	_ =	sdelay $0x3  }
0x36: {  	p1 =	seq.s32 s10, $0x1;
	s10 =	sld [smem:$0x3FB5];
	_ =	sdelay $0x3  }
0x37: {  	[smem:$0x3FB5] =	sst s10  }
0x38: {  	s10 =	sld [smem:$0x3FB6]  }
0x39: {  	_ = 	snop;
	(pc) =	sbr.ind lr, $3  }
0x3a: {  	_ = 	snop  }
0x3b: {  	_ = 	snop  }
0x3c: {  	p2 =	seq.s32 s10, $0x1;
	s10 =	sld [smem:$0x3FB5]  }
0x3d: {  	_ =	shalt  }
0x3e: {  	_ =	shalt  }
0x3f: {  	_ =	shalt  }
0x40: {  	_ =	shalt  }
0x41: {  	_ =	shalt  }
0x42: {  	_ =	shalt  }
0x43: {  	_ =	shalt  }
0x44: {  	_ =	shalt  }
0x45: {  	_ =	shalt  }
0x46: {  	_ =	shalt  }
0x47: {  	_ =	shalt  }
0x48: {  	_ =	shalt  }
0x49: {  	_ =	shalt  }
0x4a: {  	_ =	shalt  }
0x4b: {  	_ =	shalt  }
0x4c: {  	_ =	shalt  }
0x4d: {  	_ =	shalt  }
0x4e: {  	_ =	shalt  }
0x4f: {  	_ =	shalt  }
0x50: {  	_ =	shalt  }
0x51: {  	_ =	shalt  }
0x52: {  	_ =	shalt  }
0x53: {  	_ =	shalt  }
0x54: {  	_ =	shalt  }
0x55: {  	_ =	shalt  }
0x56: {  	_ =	shalt  }
0x57: {  	_ =	shalt  }
0x58: {  	_ =	shalt  }
0x59: {  	_ =	shalt  }
0x5a: {  	_ =	shalt  }
0x5b: {  	_ =	shalt  }
0x5c: {  	_ =	shalt  }
0x5d: {  	_ =	shalt  }
0x5e: {  	_ =	shalt  }
0x5f: {  	_ =	shalt  }
0x60: {  	_ =	shalt  }
0x61: {  	_ =	shalt  }
0x62: {  	_ =	shalt  }
0x63: {  	_ =	shalt  }
0x64: {  	_ =	shalt  }
0x65: {  	_ =	shalt  }
0x66: {  	_ =	shalt  }
0x67: {  	_ =	shalt  }
0x68: {  	_ =	shalt  }
0x69: {  	_ =	shalt  }
0x6a: {  	_ =	shalt  }
0x6b: {  	_ =	shalt  }
0x6c: {  	_ =	shalt  }
0x6d: {  	_ =	shalt  }
0x6e: {  	_ =	shalt  }
0x6f: {  	_ =	shalt  }
0x70: {  	_ =	shalt  }
0x71: {  	_ =	shalt  }
0x72: {  	_ =	shalt  }
0x73: {  	_ =	shalt  }
0x74: {  	_ =	shalt  }
0x75: {  	_ =	shalt  }
0x76: {  	_ =	shalt  }
0x77: {  	_ =	shalt  }
0x78: {  	_ =	shalt  }
0x79: {  	_ =	shalt  }
0x7a: {  	_ =	shalt  }
0x7b: {  	_ =	shalt  }
0x7c: {  	_ =	shalt  }
0x7d: {  	_ =	shalt  }
0x7e: {  	_ =	shalt  }
0x7f: {  	_ =	shalt  }
0x80: {  	_ =	shalt  }
0x81: {  	_ =	shalt  }
0x82: {  	_ =	shalt  }
0x83: {  	_ =	shalt  }
0x84: {  	_ =	shalt  }
0x85: {  	_ =	shalt  }
0x86: {  	_ =	shalt  }
0x87: {  	_ =	shalt  }
.Lfunc_end0:
.L_simem_size_0:
called_computation_lowered:
.L_overlay_start_0:
0x88: {  	s2 =	sld [smem:$0x3FD9]  }
0x89: {  	s3 =	sld [smem:$0x3FFE];
	_ =	sdelay $0x1  }
0x8a: {  	s1 =	srdreg.scid  }
0x8b: {  	s0 =	sand.u32 $0x1, s1  }
0x8c: {  	s17 =	sshll.u32 s0, $0xA;
	s2 =	sadd.s32 s3, s2  }
0x8d: {  	s2 =	sadd.s32 s2, s17  }
0x8e: {  	[smem:$0x3FC1] =	sst s2  }
0x8f: {  	_ = 	snop  }
0x90: {  	s2 =	sld [smem:$0x3FC9]  }
0x91: {  	s18 =	sld [smem:$0x3FC4]  }
0x92: {  	s4 =	sld [smem:$0x3FD0];
	(tm) =	ssettm $0x1  }
0x93: {  	s5 =	sld [smem:$0x3FFB];
	_ =	sdelay $0x3  }
0x94: {  	_ =	strace s5  }
0x95: {  	s5 =	sld [smem:$0x3FFC];
	_ =	sdelay $0x3  }
0x96: {  	_ =	strace s5  }
0x97: {  	s5 =	sld [smem:$0x3FFD];
	_ =	sdelay $0x3  }
0x98: {  	_ =	strace s5  }
0x99: {  	_ =	strace $0x8FFFFFFF  }
0x9a: {  	s19 =	sld [smem:$0x3FDB];
	_ =	sdelay $0x1  }
0x9b: {  	s6 =	simm.s32 $_scs_section_size  }
0x9c: {  	s7 =	simm.s32 $_size__tile_overlayer_lowered;
	s8 =	simm.s32 $_tile_overlayer_lowered  }
0x9d: {  	s22 =	simm.s32 $0x1BFF;
	s21 =	sshll.u32 s8, $0x1;
	s5 =	sadd.s32 s6, s19  }
0x9e: {  	s9 =	simm.s32 $0x0;
	s20 =	sshll.u32 s7, $0x1;
	s7 =	sadd.s32 s21, s5  }
0x9f: {  	[timem:s9], [sflag:s22] =	dma.local [hbm:s7], s20  }
0xa0: {  	_ =	swait.ge [sflag:s22], s20  }
0xa1: {  	s6 =	ssub.s32 $0x0, s20;
	[sflag:s22] =	ssyncset.done $0x0  }
0xa2: {  	[sflag:s22] =	ssyncadd.s32 s6;
	_ =	sdelay $0x1  }
0xa3: {  	s23 =	simm.s32 $0x1B8B  }
0xa4: {  	_ =	swait.ge [sflag:s23], $0x1  }
0xa5: {  	[sflag:s23] =	ssyncset.done $0x0  }
0xa6: {  	s25 =	simm.s32 $0x1B8E;
	s24 =	sld [smem:$0x3FFE];
	[sflag:s23] =	ssyncadd.s32 $0xFFFFFFFF  }
0xa7: {  	s26 =	simm.s32 $execute0_lowered;
	[smem:$0x3FD2] =	sst s25  }
0xa8: {  	s7 =	sshll.u32 s26, $0x1;
	_ =	strace $0x80000046;
	[dreg:$0x1] =	wrdreg $0xFFFFFFFF  }
0xa9: {  	s28 =	simm.s32 $_size_execute0_lowered;
	s5 =	sadd.s32 s5, s7;
	[dreg:$0x0] =	wrdreg $0x0  }
0xaa: {  	s7 =	sshll.u32 s28, $0x1;
	[dreg:$0x2] =	wrdreg s5  }
0xab: {  	[dreg:$0x3] =	wrdreg s7  }
0xac: {  	[dreg:$0x4] =	wrdreg $0xC0  }
0xad: {  	_ =	task [dreg:s9], $0x5FFFF  }
0xae: {  	[dreg:$0x1] =	wrdreg $0xFFFFFFFF  }
0xaf: {  	[dreg:$0x0] =	wrdreg $0x60  }
0xb0: {  	[dreg:$0x2] =	wrdreg s4  }
0xb1: {  	[dreg:$0x3] =	wrdreg s24  }
0xb2: {  	[dreg:$0x4] =	wrdreg s2  }
0xb3: {  	[dreg:$0x5] =	wrdreg s18  }
0xb4: {  	[dreg:$0x6] =	wrdreg $0x0  }
0xb5: {  	[dreg:$0x7] =	wrdreg $0x9  }
0xb6: {  	_ =	task.clear_ibuf [dreg:s9], $0x8FFFF;
	_ =	strace $0x90000046  }
0xb7: {  	s29 =	simm.s32 $0x9;
	_ =	strace $0x80000048  }
0xb8: {  	_ =	swait.ge [sflag:s29], $0x1  }
0xb9: {  	[sflag:s29] =	ssyncadd.s32 $0xFFFFFFFF  }
0xba: {  	_ =	strace $0x90000048  }
0xbb: {  	_ =	sfence  }
0xbc: {  	s30 =	sld [smem:$0x0];
	_ =	sdelay $0x2  }
0xbd: {  	s31 =	sshll.u32 s1, $0xD;
	s1 =	sshrl.u32 s1, $0x2  }
0xbe: {  	s3 =	sand.u32 $0x4000, s31;
	s1 =	sadd.s32 s1, s30  }
0xbf: {  	s0 =	sor.u32 s3, s0;
	s1 =	sshll.u32 s1, $0x11  }
0xc0: {  	s0 =	sor.u32 s1, s0  }
0xc1: {  	s0 =	sadd.s32 $0x8F2B, s0  }
0xc2: {  	[sflag:s0] =	ssyncadd.remote.s32 $0x1  }
0xc3: {  	_ =	sfence.sel $0xFFFF  }
0xc4: {  	[dreg:$0x0] =	wrdreg $0xFFFFFFFF;
	(pc) =	sbr.abs _section_cstart, $3  }
0xc5: {  	[dreg:$0x1] =	wrdreg $0xFFFFFFFF  }
0xc6: {  	_ =	task.clear_ibuf [dreg:s9], $0x2FFFF;
	_ =	strace $0x9FFFFFFF  }
0xc7: {  	(tm) =	ssettm $0x7FFFFFFF  }
tec
execute0_lowered:
.L_overlay_start_1:
0x0: {  	(tag) =	ssettag $0x1  }
0x1: {  	s1 =	rddreg [dreg:$0x0]  }
0x2: {  	s0 =	srdreg.scid;
	s6 =	rddreg [dreg:$0x1]  }
0x3: {  	s22 =	stileid.u32;
	s29 =	simm.s32 $0x0;
	s30 =	simm.s32 $0x1B1C0  }
0x4: {  	s31 =	simm.s32 $0x1;
	s0 =	sand.u32 $0x1, s0;
	[smem:$0x7FF] =	sst s29  }
0x5: {  	s9 =	sadd.s32 $0x28000, s6;
	s13 =	sor.u32 $0x10, s22;
	s14 =	sor.u32 $0x20, s22  }
0x6: {  	s18 =	sor.u32 $0x30, s22;
	s19 =	sor.u32 $0x40, s22;
	s20 =	sor.u32 $0x50, s22  }
0x7: {  	s24 =	sor.u32 $0x70, s22;
	s2 =	sshll.u32 s0, $0x4;
	s11 =	smul.u32 $0x138800, s0  }
0x8: {  	s3 =	ssub.s32 $0x2, s0;
	s0 =	smul.u32 $0x2800, s22;
	s2 =	sor.u32 s22, s2  }
0x9: {  	s23 =	sor.u32 $0x60, s22;
	p0 =	sgt.u32 s24, $0x7C;
	s7 =	smul.u32 $0x2710, s2  }
0xa: {  	s4 =	sshrl.u32 s3, $0x1;
	s16 =	sadd.s32 s11, s0;
	s2 =	smul.u32 $0x2800, s13  }
0xb: {  	s10 =	ssub.s32 s3, s4;
	s3 =	smul.u32 $0x2800, s14;
	s17 =	sshrl.u32 s16, $0x3  }
0xc: {  	s10 =	smax.u32 s10, $0x1;
	s4 =	sadd.s32 s9, s17;
	s5 =	sadd.s32 s11, s2  }
0xd: {  	[dreg:$0x7] =	wrdreg s4;
	s4 =	smul.u32 $0x2800, s18;
	s8 =	sshrl.u32 s5, $0x3  }
0xe: {  	s12 =	sadd.s32 s11, s3;
	s5 =	smul.u32 $0x2800, s19;
	s8 =	sadd.s32 s9, s8  }
0xf: {  	s21 =	sshrl.u32 s12, $0x3;
	[dreg:$0x8] =	wrdreg s8;
	s25 =	sadd.s32 s11, s4  }
0x10: {  	s15 =	sadd.s32 s11, s5;
	s8 =	sadd.s32 s9, s21;
	s12 =	sshrl.u32 s25, $0x3  }
0x11: {  	s25 =	smul.u32 $0x2800, s20;
	[dreg:$0x9] =	wrdreg s8;
	s28 =	sshrl.u32 s15, $0x3  }
0x12: {  	s26 =	sadd.s32 s9, s12;
	s8 =	sadd.s32 s9, s28;
	s28 =	smul.u32 $0x2800, s24  }
0x13: {  	s24 =	smul.u32 $0xA000, s24;
	[dreg:$0xa] =	wrdreg s26;
	s12 =	sadd.s32 s11, s25  }
0x14: {  	[dreg:$0xb] =	wrdreg s8;
	s26 =	smul.u32 $0x2800, s23;
	s15 =	sshrl.u32 s12, $0x3  }
0x15: {  	s8 =	rddreg [dreg:$0x2];
	s23 =	smul.u32 $0xA000, s23;
	s12 =	sadd.s32 s9, s15  }
0x16: {  	s16 =	sadd.s32 s11, s26;
	s11 =	sadd.s32 s11, s28;
	[dreg:$0xc] =	wrdreg s12  }
0x17: {  	s17 =	sshrl.u32 s16, $0x3;
	s12 =	rddreg [dreg:$0x4];
	s11 =	sshrl.u32 s11, $0x3  }
0x18: {  	s15 =	sadd.s32 s9, s17;
	s9 =	sadd.s32 s9, s11;
	s11 =	smul.u32 $0xA000, s14  }
0x19: {  	s16 =	sadd.s32 $0xA600, s6;
	s17 =	sadd.s32 $0x800, s6;
	s14 =	smul.u32 $0xA000, s19  }
0x1a: {  	s19 =	smul.u32 $0xA000, s20;
	s0 =	sadd.s32 s0, s12;
	s2 =	sadd.s32 s2, s12  }
0x1b: {  	s3 =	sadd.s32 s3, s12;
	s4 =	sadd.s32 s4, s12;
	[dreg:$0xd] =	wrdreg s15  }
0x1c: {  	[dreg:$0xe] =	wrdreg s9;
	s15 =	sadd.s32 $0x14400, s6;
	s6 =	sadd.s32 $0x27E00, s6  }
0x1d: {  	s5 =	sadd.s32 s5, s12;
	_ =	strace $0x80000047;
	[dreg:$0xf] =	wrdreg s6  }
0x1e: {  	s9 =	sshrl.u32 s7, $0x3;
	s0 =	sshrl.u32 s0, $0x3;
	[dreg:$0x12] =	wrdreg s10  }
0x1f: {  	s6 =	smul.u32 $0xA000, s13;
	s21 =	sadd.s32 s16, s9;
	[dreg:$0x1b] =	wrdreg s0  }
0x20: {  	s9 =	sadd.s32 s17, s9;
	s13 =	smul.u32 $0xA000, s22;
	[dreg:$0x10] =	wrdreg s21  }
0x21: {  	s22 =	sadd.s32 $0xA0, s7;
	s10 =	simm.s32 $0x3;
	[dreg:$0x11] =	wrdreg s9  }
0x22: {  	s21 =	sadd.s32 $0x50, s7;
	s7 =	sshrl.u32 s11, $0x2;
	s11 =	sshrl.u32 s19, $0x2  }
0x23: {  	s19 =	sadd.s32 s26, s12;
	s9 =	sshrl.u32 s13, $0x2;
	s6 =	sshrl.u32 s6, $0x2  }
0x24: {  	s13 =	smul.u32 $0xA000, s18;
	s7 =	sadd.s32 s7, s12;
	s9 =	sadd.s32 s9, s12  }
0x25: {  	s6 =	sadd.s32 s6, s12;
	[dreg:$0x15] =	wrdreg s7;
	s7 =	sshrl.u32 s23, $0x2  }
0x26: {  	s23 =	sshrl.u32 s3, $0x3;
	s3 =	simm.s32 $0x5;
	[dreg:$0x13] =	wrdreg s9  }
0x27: {  	[dreg:$0x14] =	wrdreg s6;
	s18 =	sshrl.u32 s13, $0x2;
	s6 =	sshrl.u32 s14, $0x2  }
0x28: {  	s13 =	sadd.s32 s7, s12;
	s14 =	sshrl.u32 s24, $0x2;
	s9 =	sadd.s32 s28, s12  }
0x29: {  	[dreg:$0x1d] =	wrdreg s23;
	s24 =	sshrl.u32 s4, $0x3;
	s28 =	sshrl.u32 s19, $0x3  }
0x2a: {  	s19 =	simm.s32 $0x13920;
	s23 =	simm.s32 $0x139C0;
	[dreg:$0x19] =	wrdreg s13  }
0x2b: {  	s4 =	simm.s32 $0x6;
	s20 =	sadd.s32 s18, s12;
	[dreg:$0x1e] =	wrdreg s24  }
0x2c: {  	s6 =	sadd.s32 s6, s12;
	s18 =	sadd.s32 s25, s12;
	[smem:$0x7FC] =	sst s28  }
0x2d: {  	s25 =	sshrl.u32 s5, $0x3;
	s0 =	sshrl.u32 @!p0 s9, $0x3;
	[dreg:$0x16] =	wrdreg s20  }
0x2e: {  	s13 =	simm.s32 $0x189C0;
	s24 =	simm.s32 $0x161C0;
	[dreg:$0x17] =	wrdreg s6  }
0x2f: {  	s5 =	simm.s32 $0x7;
	s6 =	sadd.s32 s11, s12;
	[dreg:$0x1f] =	wrdreg s25  }
0x30: {  	s20 =	sshrl.u32 s2, $0x3;
	s26 =	sshrl.u32 s18, $0x3;
	[smem:$0x7FD] =	sst s0  }
0x31: {  	s18 =	simm.s32 $0x13880;
	s25 =	simm.s32 $0x138D0;
	[dreg:$0x18] =	wrdreg s6  }
0x32: {  	s11 =	simm.s32 $0x2;
	s0 =	simm.s32 $0x4;
	[dreg:$0x1c] =	wrdreg s20  }
0x33: {  	s6 =	sadd.s32 s14, s12;
	[smem:$0x7FB] =	sst s26;
	s14 =	simm.s32 $0x9  }
0x34: {  	v0 =	vimm.f32 $0.0e+00;
	s20 =	simm.s32 $0x50;
	s26 =	simm.s32 $0x13970;
	[dreg:$0x1a] =	wrdreg s6  }
.LBB2_1:
0x35: {  	[dreg:$0x6] =	wrdreg s29;
	s2 =	simm.s32 $0x0;
	s6 =	simm.s32 $0x200  }
.LBB2_2:
0x36: {  	p1 =	sne.s32 s6, $0x9E00;
	[tilespmem:s2+$0x18A30] =	vst v0  }
0x37: {  	[tilespmem:s2+$0x189C0] =	vst v0  }
0x38: {  	[tilespmem:s2+$0x189D0] =	vst v0  }
.Ltmp0:
0x39: {  	[tilespmem:s2+$0x189E0] =	vst v0;
	(pc) =	sbr.rel @p1 .LBB2_2-.Ltmp0, $4  }
0x3a: {  	[tilespmem:s2+$0x189F0] =	vst v0  }
0x3b: {  	[tilespmem:s2+$0x18A00] =	vst v0  }
0x3c: {  	[tilespmem:s2+$0x18A10] =	vst v0  }
0x3d: {  	[tilespmem:s2+$0x18A20] =	vst v0;
	s2 =	sshra.s32 s6, $0x2;
	s6 =	sadd.s32 $0x200, s6  }
0x3e: {  	[tilespmem:s2+$0x18A30] =	vst v0  }
0x3f: {  	[tilespmem:s2+$0x189C0] =	vst v0  }
0x40: {  	[tilespmem:s2+$0x189D0] =	vst v0  }
0x41: {  	[tilespmem:s2+$0x189E0] =	vst v0  }
0x42: {  	[tilespmem:s2+$0x189F0] =	vst v0  }
0x43: {  	[tilespmem:s2+$0x18A00] =	vst v0  }
0x44: {  	[tilespmem:s2+$0x18A10] =	vst v0  }
0x45: {  	[tilespmem:s2+$0x18A20] =	vst v0;
	s9 =	rddreg [dreg:$0x13]  }
0x46: {  	[spmem:s9] =	stream.linear.scatter [tilespmem:s13], [sflag:$0x9], $0x2800, $0x38;
	[tilespmem:$0x1DA10] =	vst v63  }
0x47: {  	_ =	swait.ge [sflag:s14], $0x2800  }
0x48: {  	[sflag:s14] =	ssyncset.done $0x0  }
0x49: {  	s28 =	rddreg [dreg:$0x14];
	[sflag:s14] =	ssyncadd.s32 $0xFFFFD800  }
0x4a: {  	[spmem:s28] =	stream.linear.scatter [tilespmem:s13], [sflag:$0x9], $0x2800, $0x38;
	[tilespmem:$0x1DA10] =	vst v63  }
0x4b: {  	_ =	swait.ge [sflag:s14], $0x2800  }
0x4c: {  	[sflag:s14] =	ssyncset.done $0x0  }
0x4d: {  	s29 =	rddreg [dreg:$0x15];
	[sflag:s14] =	ssyncadd.s32 $0xFFFFD800  }
0x4e: {  	[spmem:s29] =	stream.linear.scatter [tilespmem:s13], [sflag:$0x9], $0x2800, $0x38;
	[tilespmem:$0x1DA10] =	vst v63  }
0x4f: {  	_ =	swait.ge [sflag:s14], $0x2800  }
0x50: {  	[sflag:s14] =	ssyncset.done $0x0  }
0x51: {  	s6 =	rddreg [dreg:$0x16];
	[sflag:s14] =	ssyncadd.s32 $0xFFFFD800  }
0x52: {  	[spmem:s6] =	stream.linear.scatter [tilespmem:s13], [sflag:$0x9], $0x2800, $0x38;
	[tilespmem:$0x1DA10] =	vst v63  }
0x53: {  	_ =	swait.ge [sflag:s14], $0x2800  }
0x54: {  	[sflag:s14] =	ssyncset.done $0x0  }
0x55: {  	s7 =	rddreg [dreg:$0x17];
	[sflag:s14] =	ssyncadd.s32 $0xFFFFD800  }
0x56: {  	[spmem:s7] =	stream.linear.scatter [tilespmem:s13], [sflag:$0x9], $0x2800, $0x38;
	[tilespmem:$0x1DA10] =	vst v63  }
0x57: {  	_ =	swait.ge [sflag:s14], $0x2800  }
0x58: {  	[sflag:s14] =	ssyncset.done $0x0  }
0x59: {  	s9 =	rddreg [dreg:$0x18];
	[sflag:s14] =	ssyncadd.s32 $0xFFFFD800  }
0x5a: {  	[spmem:s9] =	stream.linear.scatter [tilespmem:s13], [sflag:$0x9], $0x2800, $0x38;
	[tilespmem:$0x1DA10] =	vst v63  }
0x5b: {  	_ =	swait.ge [sflag:s14], $0x2800  }
0x5c: {  	[sflag:s14] =	ssyncset.done $0x0  }
0x5d: {  	s28 =	rddreg [dreg:$0x19];
	[sflag:s14] =	ssyncadd.s32 $0xFFFFD800  }
0x5e: {  	[spmem:s28] =	stream.linear.scatter [tilespmem:s13], [sflag:$0x9], $0x2800, $0x38;
	[tilespmem:$0x1DA10] =	vst v63  }
0x5f: {  	_ =	swait.ge [sflag:s14], $0x2800  }
0x60: {  	[sflag:s14] =	ssyncset.done $0x0  }
0x61: {  	s2 =	simm.s32 @!p0 $0x189C0;
	s6 =	rddreg [dreg:$0x1a];
	[sflag:s14] =	ssyncadd.s32 $0xFFFFD800  }
0x62: {  	[spmem:s6] =	stream.linear.scatter @!p0 [tilespmem:s2], [sflag:$0x9], $0x2800, $0x38;
	[tilespmem:$0x1DA10] =	vst v63  }
0x63: {  	s2 =	simm.s32 @!p0 $0x9  }
0x64: {  	_ =	swait.ge @!p0 [sflag:s2], $0x2800  }
0x65: {  	[sflag:s2] =	ssyncset.done @!p0 $0x0  }
0x66: {  	[sflag:s2] =	ssyncadd.s32 @!p0 $0xFFFFD800  }
0x67: {  	s29 =	simm.s32 $0x1D9C0;
	s7 =	simm.s32 $0x0;
	s2 =	rddreg [dreg:$0x3]  }
0x68: {  	[tilespmem:s29], [sflag:$0x9] =	stream.linear.gather [hbm4b:s2+s7], $0x40, $0x38;
	[tilespmem:$0x1DA10] =	vst v63  }
0x69: {  	_ =	swait.ge [sflag:s14], $0x40  }
0x6a: {  	[sflag:s14] =	ssyncset.done $0x0  }
0x6b: {  	s9 =	simm.s32 $0x1DA00;
	s6 =	rddreg [dreg:$0xf];
	[sflag:s14] =	ssyncadd.s32 $0xFFFFFFC0  }
0x6c: {  	[tilespmem:s9], [sflag:$0x9] =	stream.linear.gather [hbm4b:s6+s7], $0x10, $0x38;
	[tilespmem:$0x1DA10] =	vst v63  }
0x6d: {  	_ =	swait.ge [sflag:s14], $0x10  }
0x6e: {  	[sflag:s14] =	ssyncset.done $0x0  }
0x6f: {  	[sflag:s14] =	ssyncadd.s32 $0xFFFFFFF0  }
0x70: {  	v5 =	vld [tilespmem:$0x1D9C0]  }
0x71: {  	v4 =	vld [tilespmem:$0x1D9D0]  }
0x72: {  	v3 =	vld [tilespmem:$0x1D9E0]  }
0x73: {  	v2 =	vld [tilespmem:$0x1D9F0]  }
0x74: {  	v1 =	vld [tilespmem:$0x1DA00];
	[bflag:$0x0] =	sbarrier.arrive $0xFFFF  }
0x75: {  	s28 =	rddreg [dreg:$0x10]  }
0x76: {  	[tilespmem:s18], [sflag:$0x9] =	stream.linear.gather [hbm4b:s28+s7], $0x50, $0x38;
	[tilespmem:$0x1DA10] =	vst v63  }
0x77: {  	_ =	swait.ge [sflag:s14], $0x50  }
0x78: {  	[sflag:s14] =	ssyncset.done $0x0  }
0x79: {  	s29 =	rddreg [dreg:$0x11];
	[sflag:s14] =	ssyncadd.s32 $0xFFFFFFB0  }
0x7a: {  	[tilespmem:s19], [sflag:$0x9] =	stream.linear.gather [hbm4b:s29+s7], $0x50, $0x38;
	[tilespmem:$0x1DA10] =	vst v63  }
0x7b: {  	_ =	swait.ge [sflag:s14], $0x50  }
0x7c: {  	[sflag:s14] =	ssyncset.done $0x0  }
0x7d: {  	[sflag:s14] =	ssyncadd.s32 $0xFFFFFFB0  }
0x7e: {  	[tilespmem:s23], [sflag:$0x1] =	stream.indirect.gather [hbm4b:s1+s20], $0x40, s18, s20, $0xb8;
	[tilespmem:$0x1DA10] =	vst v63  }
0x7f: {  	_ = 	snop  }
0x80: {  	[tilespmem:s24], [sflag:$0x2] =	stream.indirect.gather [hbm4b:s15+s20], $0x40, s19, s20, $0xb8;
	[tilespmem:$0x1DA10] =	vst v63  }
0x81: {  	s9 =	simm.s32 $0x0  }
0x82: {  	[tilespmem:s13], [sflag:$0x3] =	stream.indirect.gather [hbm4b:s8+s20], $0x80, s19, s20, $0xb8;
	[tilespmem:$0x1DA10] =	vst v63  }
.LBB2_4:
0x83: {  	p1 =	seq.s32 s9, $0x0;
	s6 =	smul.u32 $0xA0, s9  }
0x84: {  	s2 =	simm.s32 @!p1 $0x8  }
0x85: {  	_ =	swait.ge @!p1 [sflag:s2], $0x2800;
	s28 =	sadd.s32 s6, s21  }
0x86: {  	[sflag:s2] =	ssyncset.done @!p1 $0x0;
	s28 =	sshrl.u32 s28, $0x3  }
0x87: {  	[sflag:s2] =	ssyncadd.s32 @!p1 $0xFFFFD800;
	s2 =	sadd.s32 s16, s28  }
0x88: {  	[tilespmem:s25], [sflag:$0x9] =	stream.linear.gather [hbm4b:s2+s7], $0x50, $0x38;
	[tilespmem:$0x1DA10] =	vst v63  }
0x89: {  	_ =	swait.ge [sflag:s14], $0x50  }
0x8a: {  	[sflag:s14] =	ssyncset.done $0x0  }
0x8b: {  	s2 =	sadd.s32 s17, s28;
	[sflag:s14] =	ssyncadd.s32 $0xFFFFFFB0  }
0x8c: {  	[tilespmem:s26], [sflag:$0x9] =	stream.linear.gather [hbm4b:s2+s7], $0x50, $0x38;
	[tilespmem:$0x1DA10] =	vst v63  }
0x8d: {  	_ =	swait.ge [sflag:s14], $0x50  }
0x8e: {  	[sflag:s14] =	ssyncset.done $0x0  }
0x8f: {  	s2 =	simm.s32 $0x14DC0;
	[sflag:s14] =	ssyncadd.s32 $0xFFFFFFB0  }
0x90: {  	[tilespmem:s2], [sflag:$0x5] =	stream.indirect.gather [hbm4b:s1+s20], $0x40, s25, s20, $0xb8;
	[tilespmem:$0x1DA10] =	vst v63  }
0x91: {  	s2 =	simm.s32 $0x175C0  }
0x92: {  	[tilespmem:s2], [sflag:$0x6] =	stream.indirect.gather [hbm4b:s15+s20], $0x40, s26, s20, $0xb8;
	[tilespmem:$0x1DA10] =	vst v63  }
0x93: {  	_ = 	snop  }
0x94: {  	[tilespmem:s30], [sflag:$0x7] =	stream.indirect.gather [hbm4b:s8+s20], $0x80, s26, s20, $0xb8;
	[tilespmem:$0x1DA10] =	vst v63  }
0x95: {  	_ =	swait.ge [sflag:s31], $0x1400  }
0x96: {  	[sflag:s31] =	ssyncset.done $0x0  }
0x97: {  	[sflag:s31] =	ssyncadd.s32 $0xFFFFEC00  }
0x98: {  	_ =	swait.ge [sflag:s11], $0x1400  }
0x99: {  	[sflag:s11] =	ssyncset.done $0x0  }
0x9a: {  	[sflag:s11] =	ssyncadd.s32 $0xFFFFEC00  }
0x9b: {  	_ =	swait.ge [sflag:s10], $0x2800  }
0x9c: {  	[sflag:s10] =	ssyncset.done $0x0  }
0x9d: {  	s2 =	simm.s32 $0x0;
	[sflag:s10] =	ssyncadd.s32 $0xFFFFD800  }
0x9e: {  	v6 =	vld [tilespmem:s2+$0x161C0]  }
0x9f: {  	v7 =	vld [tilespmem:s2+$0x139C0]  }
0xa0: {  	v8 =	vld [tilespmem:s2+$0x161D0]  }
0xa1: {  	v9 =	vld [tilespmem:s2+$0x139D0]  }
0xa2: {  	v10 =	vld [tilespmem:s2+$0x161E0]  }
0xa3: {  	v11 =	vld [tilespmem:s2+$0x139E0]  }
0xa4: {  	v12 =	vld [tilespmem:s2+$0x139F0];
	v6 =	vadd.f32 v6, v7  }
0xa5: {  	v7 =	vld [tilespmem:s2+$0x161F0]  }
0xa6: {  	v8 =	vadd.f32 v8, v9;
	v6 =	vmax.f32 v6, $0.0e+00  }
0xa7: {  	v6 =	vmul.f32 v6, v5  }
0xa8: {  	v59 =	vadd.f32 v10, v11;
	v8 =	vmax.f32 v8, $0.0e+00  }
0xa9: {  	v8 =	vmul.f32 v8, v4;
	v6 =	vadd.f32 $0.0e+00, v6  }
0xaa: {  	v9 =	vmax.f32 v59, $0.0e+00;
	v7 =	vadd.f32 v7, v12  }
0xab: {  	v6 =	vadd.f32 v8, v6;
	v8 =	vmul.f32 v9, v3  }
0xac: {  	v7 =	vmax.f32 v7, $0.0e+00  }
0xad: {  	v7 =	vmul.f32 v7, v2;
	v6 =	vadd.f32 v8, v6;
	_ =	sdelay $0x1  }
0xae: {  	v6 =	vadd.f32 v7, v6;
	_ =	sdelay $0x1  }
0xaf: {  	(xrf2) =	vadd.scan.msk.f32 $0xffff, v6;
	_ =	sdelay $0x9  }
0xb0: {  	v6, _, _ =	vpop (xrf2)  }
0xb1: {  	v6 =	vbroadcast v6, $0xF;
	_ =	sdelay $0x1  }
0xb2: {  	v6 =	vadd.f32 v6, v1;
	_ =	sdelay $0x1  }
0xb3: {  	v6 =	vsub.f32 $0.0e+00, v6;
	_ =	sdelay $0x1  }
0xb4: {  	v6 =	vmul.f32 $1.442695020e+00, v6;
	_ =	sdelay $0x1  }
0xb5: {  	(erf) = vpow2.f32 v6;
	_ =	sdelay $0x8  }
0xb6: {  	v6 =	vpop (erf)  }
0xb7: {  	v6 =	vadd.f32 $1.000000000e+00, v6;
	_ =	sdelay $0x1  }
0xb8: {  	(erf) = vrcp.f32 v6;
	_ =	sdelay $0x3  }
0xb9: {  	s2 =	simm.s32 $0x18A00  }
0xba: {  	v6 =	vld [tilespmem:s2+$0x30]  }
0xbb: {  	v7 =	vld [tilespmem:s2+$0x20]  }
0xbc: {  	v8 =	vld [tilespmem:s2+$0x10]  }
0xbd: {  	v60 =	vld [tilespmem:s2+$0x0]  }
0xbe: {  	v61 =	vld [tilespmem:s2+$0xFFFFFFF0];
	v62 =	vpop (erf)  }
0xbf: {  	v63 =	vld [tilespmem:s2+$0xFFFFFFE0];
	v6 =	vmul.f32 v6, v62  }
0xc0: {  	v13 =	vld [tilespmem:s2+$0xFFFFFFD0];
	v7 =	vmul.f32 v62, v7  }
0xc1: {  	v14 =	vld [tilespmem:s2+$0xFFFFFFC0];
	v8 =	vmul.f32 v62, v8;
	[tilespmem:s2+$0x30] =	vst v6  }
0xc2: {  	v6 =	vmul.f32 v62, v60;
	[tilespmem:s2+$0x20] =	vst v7  }
0xc3: {  	v7 =	vmul.f32 v62, v61;
	[tilespmem:s2+$0x10] =	vst v8  }
0xc4: {  	v8 =	vmul.f32 v62, v63;
	[tilespmem:s2+$0x0] =	vst v6  }
0xc5: {  	v6 =	vmul.f32 v62, v13;
	[tilespmem:s2+$0xFFFFFFF0] =	vst v7  }
0xc6: {  	v7 =	vmul.f32 v62, v14;
	[tilespmem:s2+$0xFFFFFFE0] =	vst v8  }
0xc7: {  	[tilespmem:s2+$0xFFFFFFD0] =	vst v6  }
0xc8: {  	s29 =	simm.s32 $0x40;
	[tilespmem:s2+$0xFFFFFFC0] =	vst v7  }
0xc9: {  	s28 =	simm.s32 $0x200;
	v6 =	vld [tilespmem:s29+$0x161C0]  }
.LBB2_5:
0xca: {  	p1 =	sne.s32 s28, $0x4F00;
	v7 =	vld [tilespmem:s29+$0x139C0]  }
0xcb: {  	v8 =	vld [tilespmem:s29+$0x161D0]  }
0xcc: {  	v9 =	vld [tilespmem:s29+$0x139D0]  }
0xcd: {  	v10 =	vld [tilespmem:s29+$0x161E0]  }
0xce: {  	v11 =	vld [tilespmem:s29+$0x139E0]  }
0xcf: {  	v6 =	vadd.f32 v6, v7;
	v7 =	vld [tilespmem:s29+$0x161F0]  }
0xd0: {  	v12 =	vld [tilespmem:s29+$0x139F0]  }
0xd1: {  	v6 =	vmax.f32 v6, $0.0e+00;
	v8 =	vadd.f32 v8, v9  }
0xd2: {  	v6 =	vmul.f32 v6, v5  }
0xd3: {  	v8 =	vmax.f32 v8, $0.0e+00;
	v9 =	vadd.f32 v10, v11  }
0xd4: {  	v6 =	vadd.f32 $0.0e+00, v6;
	v8 =	vmul.f32 v8, v4  }
0xd5: {  	v9 =	vmax.f32 v9, $0.0e+00;
	v7 =	vadd.f32 v7, v12  }
0xd6: {  	v6 =	vadd.f32 v8, v6;
	v8 =	vmul.f32 v9, v3  }
0xd7: {  	v7 =	vmax.f32 v7, $0.0e+00  }
0xd8: {  	v6 =	vadd.f32 v8, v6;
	v7 =	vmul.f32 v7, v2;
	_ =	sdelay $0x1  }
0xd9: {  	v6 =	vadd.f32 v7, v6;
	_ =	sdelay $0x1  }
0xda: {  	(xrf2) =	vadd.scan.msk.f32 $0xffff, v6;
	_ =	sdelay $0x9  }
0xdb: {  	v6, _, _ =	vpop (xrf2)  }
0xdc: {  	v6 =	vbroadcast v6, $0xF;
	_ =	sdelay $0x1  }
0xdd: {  	v6 =	vadd.f32 v6, v1;
	_ =	sdelay $0x1  }
0xde: {  	v6 =	vsub.f32 $0.0e+00, v6;
	_ =	sdelay $0x1  }
0xdf: {  	v6 =	vmul.f32 $1.442695020e+00, v6;
	_ =	sdelay $0x1  }
0xe0: {  	(erf) = vpow2.f32 v6;
	_ =	sdelay $0x8  }
0xe1: {  	v6 =	vpop (erf)  }
0xe2: {  	v6 =	vadd.f32 $1.000000000e+00, v6;
	_ =	sdelay $0x1  }
0xe3: {  	s2 =	sadd.s32 $0x80, s2;
	(erf) = vrcp.f32 v6  }
0xe4: {  	v6 =	vld [tilespmem:s2+$0xFFFFFFF0]  }
0xe5: {  	v7 =	vld [tilespmem:s2+$0x30]  }
0xe6: {  	v8 =	vld [tilespmem:s2+$0x20]  }
0xe7: {  	v9 =	vld [tilespmem:s2+$0x10]  }
0xe8: {  	v10 =	vld [tilespmem:s2+$0x0]  }
0xe9: {  	v11 =	vld [tilespmem:s2+$0xFFFFFFE0]  }
0xea: {  	v12 =	vld [tilespmem:s2+$0xFFFFFFD0]  }
0xeb: {  	v13 =	vld [tilespmem:s2+$0xFFFFFFC0]  }
0xec: {  	v14 =	vpop (erf)  }
0xed: {  	v8 =	vmul.f32 v14, v8;
	v7 =	vmul.f32 v7, v14  }
0xee: {  	v10 =	vmul.f32 v14, v10;
	v9 =	vmul.f32 v14, v9  }
0xef: {  	v6 =	vmul.f32 v14, v6;
	v11 =	vmul.f32 v14, v11;
	[tilespmem:s2+$0x30] =	vst v7  }
0xf0: {  	v12 =	vmul.f32 v14, v12;
	v7 =	vmul.f32 v14, v13;
	[tilespmem:s2+$0x20] =	vst v8  }
0xf1: {  	[tilespmem:s2+$0x10] =	vst v9  }
0xf2: {  	[tilespmem:s2+$0x0] =	vst v10  }
.Ltmp1:
0xf3: {  	[tilespmem:s2+$0xFFFFFFF0] =	vst v6;
	(pc) =	sbr.rel @p1 .LBB2_5-.Ltmp1, $4  }
0xf4: {  	[tilespmem:s2+$0xFFFFFFE0] =	vst v11  }
0xf5: {  	[tilespmem:s2+$0xFFFFFFD0] =	vst v12  }
0xf6: {  	s29 =	sshra.s32 s28, $0x2;
	[tilespmem:s2+$0xFFFFFFC0] =	vst v7  }
0xf7: {  	s28 =	sadd.s32 $0x100, s28;
	v6 =	vld [tilespmem:s29+$0x161C0]  }
0xf8: {  	v7 =	vld [tilespmem:s29+$0x139C0]  }
0xf9: {  	v8 =	vld [tilespmem:s29+$0x161D0]  }
0xfa: {  	v9 =	vld [tilespmem:s29+$0x139D0]  }
0xfb: {  	v10 =	vld [tilespmem:s29+$0x161E0]  }
0xfc: {  	v11 =	vld [tilespmem:s29+$0x139E0]  }
0xfd: {  	v12 =	vld [tilespmem:s29+$0x139F0];
	v6 =	vadd.f32 v6, v7  }
0xfe: {  	v7 =	vld [tilespmem:s29+$0x161F0]  }
0xff: {  	v8 =	vadd.f32 v8, v9;
	v6 =	vmax.f32 v6, $0.0e+00  }
0x100: {  	v6 =	vmul.f32 v6, v5  }
0x101: {  	v48 =	vadd.f32 v10, v11;
	v8 =	vmax.f32 v8, $0.0e+00  }
0x102: {  	v8 =	vmul.f32 v8, v4;
	v6 =	vadd.f32 $0.0e+00, v6  }
0x103: {  	v9 =	vmax.f32 v48, $0.0e+00;
	v7 =	vadd.f32 v7, v12  }
0x104: {  	v6 =	vadd.f32 v8, v6;
	v8 =	vmul.f32 v9, v3  }
0x105: {  	v7 =	vmax.f32 v7, $0.0e+00  }
0x106: {  	v7 =	vmul.f32 v7, v2;
	v6 =	vadd.f32 v8, v6;
	_ =	sdelay $0x1  }
0x107: {  	v6 =	vadd.f32 v7, v6;
	_ =	sdelay $0x1  }
0x108: {  	(xrf2) =	vadd.scan.msk.f32 $0xffff, v6;
	_ =	sdelay $0x9  }
0x109: {  	v6, _, _ =	vpop (xrf2)  }
0x10a: {  	v6 =	vbroadcast v6, $0xF;
	_ =	sdelay $0x1  }
0x10b: {  	v6 =	vadd.f32 v6, v1;
	_ =	sdelay $0x1  }
0x10c: {  	v6 =	vsub.f32 $0.0e+00, v6;
	_ =	sdelay $0x1  }
0x10d: {  	v6 =	vmul.f32 $1.442695020e+00, v6;
	_ =	sdelay $0x1  }
0x10e: {  	(erf) = vpow2.f32 v6;
	_ =	sdelay $0x8  }
0x10f: {  	v6 =	vpop (erf)  }
0x110: {  	v6 =	vadd.f32 $1.000000000e+00, v6;
	_ =	sdelay $0x1  }
0x111: {  	(erf) = vrcp.f32 v6;
	_ =	sdelay $0x3  }
0x112: {  	s2 =	sadd.s32 $0x80, s2  }
0x113: {  	v6 =	vld [tilespmem:s2+$0x30]  }
0x114: {  	v7 =	vld [tilespmem:s2+$0x20]  }
0x115: {  	v8 =	vld [tilespmem:s2+$0x10]  }
0x116: {  	v49 =	vld [tilespmem:s2+$0x0]  }
0x117: {  	v50 =	vld [tilespmem:s2+$0xFFFFFFF0];
	v51 =	vpop (erf)  }
0x118: {  	v52 =	vld [tilespmem:s2+$0xFFFFFFE0];
	v6 =	vmul.f32 v6, v51  }
0x119: {  	v13 =	vld [tilespmem:s2+$0xFFFFFFD0];
	v7 =	vmul.f32 v51, v7  }
0x11a: {  	v14 =	vld [tilespmem:s2+$0xFFFFFFC0];
	v8 =	vmul.f32 v51, v8;
	[tilespmem:s2+$0x30] =	vst v6  }
0x11b: {  	v6 =	vmul.f32 v51, v49;
	[tilespmem:s2+$0x20] =	vst v7  }
0x11c: {  	v7 =	vmul.f32 v51, v50;
	[tilespmem:s2+$0x10] =	vst v8  }
0x11d: {  	v8 =	vmul.f32 v51, v52;
	[tilespmem:s2+$0x0] =	vst v6  }
0x11e: {  	v6 =	vmul.f32 v51, v13;
	[tilespmem:s2+$0xFFFFFFF0] =	vst v7  }
0x11f: {  	v7 =	vmul.f32 v51, v14;
	[tilespmem:s2+$0xFFFFFFE0] =	vst v8  }
0x120: {  	[tilespmem:s2+$0xFFFFFFD0] =	vst v6  }
0x121: {  	[tilespmem:s2+$0xFFFFFFC0] =	vst v7  }
0x122: {  	[spmem:s12] =	stream.indirect.scatter.add.f32 [tilespmem:s13], [sflag:$0x4], $0x80, s18, s20, $0xb8;
	[tilespmem:$0x1DA10] =	vst v63  }
0x123: {  	s6 =	sadd.s32 s6, s22;
	_ =	swait.ge [sflag:s0], $0x2800  }
0x124: {  	s2 =	sshrl.u32 s6, $0x3;
	[sflag:s0] =	ssyncset.done $0x0  }
0x125: {  	s28 =	simm.s32 $0x0;
	s29 =	sadd.s32 s16, s2;
	[sflag:s0] =	ssyncadd.s32 $0xFFFFD800  }
0x126: {  	[tilespmem:s18], [sflag:$0x9] =	stream.linear.gather [hbm4b:s29+s28], $0x50, $0x38;
	[tilespmem:$0x1DA10] =	vst v63  }
0x127: {  	_ =	swait.ge [sflag:s14], $0x50  }
0x128: {  	[sflag:s14] =	ssyncset.done $0x0  }
0x129: {  	s2 =	sadd.s32 s17, s2;
	[sflag:s14] =	ssyncadd.s32 $0xFFFFFFB0  }
0x12a: {  	[tilespmem:s19], [sflag:$0x9] =	stream.linear.gather [hbm4b:s2+s28], $0x50, $0x38;
	[tilespmem:$0x1DA10] =	vst v63  }
0x12b: {  	_ =	swait.ge [sflag:s14], $0x50  }
0x12c: {  	[sflag:s14] =	ssyncset.done $0x0  }
0x12d: {  	[sflag:s14] =	ssyncadd.s32 $0xFFFFFFB0  }
0x12e: {  	[tilespmem:s23], [sflag:$0x1] =	stream.indirect.gather [hbm4b:s1+s20], $0x40, s18, s20, $0xb8;
	[tilespmem:$0x1DA10] =	vst v63  }
0x12f: {  	_ = 	snop  }
0x130: {  	[tilespmem:s24], [sflag:$0x2] =	stream.indirect.gather [hbm4b:s15+s20], $0x40, s19, s20, $0xb8;
	[tilespmem:$0x1DA10] =	vst v63  }
0x131: {  	_ = 	snop  }
0x132: {  	[tilespmem:s13], [sflag:$0x3] =	stream.indirect.gather [hbm4b:s8+s20], $0x80, s19, s20, $0xb8;
	[tilespmem:$0x1DA10] =	vst v63  }
0x133: {  	_ =	swait.ge [sflag:s3], $0x1400  }
0x134: {  	[sflag:s3] =	ssyncset.done $0x0  }
0x135: {  	[sflag:s3] =	ssyncadd.s32 $0xFFFFEC00  }
0x136: {  	_ =	swait.ge [sflag:s4], $0x1400  }
0x137: {  	[sflag:s4] =	ssyncset.done $0x0  }
0x138: {  	[sflag:s4] =	ssyncadd.s32 $0xFFFFEC00  }
0x139: {  	_ =	swait.ge [sflag:s5], $0x2800  }
0x13a: {  	[sflag:s5] =	ssyncset.done $0x0  }
0x13b: {  	s29 =	simm.s32 $0x0;
	[sflag:s5] =	ssyncadd.s32 $0xFFFFD800  }
0x13c: {  	v6 =	vld [tilespmem:s29+$0x175C0]  }
0x13d: {  	v7 =	vld [tilespmem:s29+$0x14DC0]  }
0x13e: {  	v8 =	vld [tilespmem:s29+$0x175D0]  }
0x13f: {  	v53 =	vld [tilespmem:s29+$0x14DD0]  }
0x140: {  	v54 =	vld [tilespmem:s29+$0x175E0]  }
0x141: {  	v55 =	vld [tilespmem:s29+$0x14DE0]  }
0x142: {  	v56 =	vld [tilespmem:s29+$0x14DF0];
	v6 =	vadd.f32 v6, v7  }
0x143: {  	v7 =	vld [tilespmem:s29+$0x175F0]  }
0x144: {  	v8 =	vadd.f32 v8, v53;
	v6 =	vmax.f32 v6, $0.0e+00  }
0x145: {  	v6 =	vmul.f32 v6, v5  }
0x146: {  	v57 =	vadd.f32 v54, v55;
	v8 =	vmax.f32 v8, $0.0e+00  }
0x147: {  	v8 =	vmul.f32 v8, v4;
	v6 =	vadd.f32 $0.0e+00, v6  }
0x148: {  	v9 =	vmax.f32 v57, $0.0e+00;
	v7 =	vadd.f32 v7, v56  }
0x149: {  	v6 =	vadd.f32 v8, v6;
	v8 =	vmul.f32 v9, v3  }
0x14a: {  	v7 =	vmax.f32 v7, $0.0e+00  }
0x14b: {  	v7 =	vmul.f32 v7, v2;
	v6 =	vadd.f32 v8, v6;
	_ =	sdelay $0x1  }
0x14c: {  	v6 =	vadd.f32 v7, v6;
	_ =	sdelay $0x1  }
0x14d: {  	(xrf2) =	vadd.scan.msk.f32 $0xffff, v6;
	_ =	sdelay $0x9  }
0x14e: {  	v6, _, _ =	vpop (xrf2)  }
0x14f: {  	v6 =	vbroadcast v6, $0xF;
	_ =	sdelay $0x1  }
0x150: {  	v6 =	vadd.f32 v6, v1;
	_ =	sdelay $0x1  }
0x151: {  	v6 =	vsub.f32 $0.0e+00, v6;
	_ =	sdelay $0x1  }
0x152: {  	v6 =	vmul.f32 $1.442695020e+00, v6;
	_ =	sdelay $0x1  }
0x153: {  	(erf) = vpow2.f32 v6;
	_ =	sdelay $0x8  }
0x154: {  	v6 =	vpop (erf)  }
0x155: {  	v6 =	vadd.f32 $1.000000000e+00, v6;
	_ =	sdelay $0x1  }
0x156: {  	(erf) = vrcp.f32 v6;
	_ =	sdelay $0x3  }
0x157: {  	s2 =	simm.s32 $0x1B200  }
0x158: {  	v6 =	vld [tilespmem:s2+$0x30]  }
0x159: {  	v7 =	vld [tilespmem:s2+$0x20]  }
0x15a: {  	v8 =	vld [tilespmem:s2+$0x10]  }
0x15b: {  	v58 =	vld [tilespmem:s2+$0x0]  }
0x15c: {  	v59 =	vld [tilespmem:s2+$0xFFFFFFF0];
	v60 =	vpop (erf)  }
0x15d: {  	v61 =	vld [tilespmem:s2+$0xFFFFFFE0];
	v6 =	vmul.f32 v6, v60  }
0x15e: {  	v62 =	vld [tilespmem:s2+$0xFFFFFFD0];
	v7 =	vmul.f32 v60, v7  }
0x15f: {  	v63 =	vld [tilespmem:s2+$0xFFFFFFC0];
	v8 =	vmul.f32 v60, v8;
	[tilespmem:s2+$0x30] =	vst v6  }
0x160: {  	v6 =	vmul.f32 v60, v58;
	[tilespmem:s2+$0x20] =	vst v7  }
0x161: {  	v7 =	vmul.f32 v60, v59;
	[tilespmem:s2+$0x10] =	vst v8  }
0x162: {  	v8 =	vmul.f32 v60, v61;
	[tilespmem:s2+$0x0] =	vst v6  }
0x163: {  	v6 =	vmul.f32 v60, v62;
	[tilespmem:s2+$0xFFFFFFF0] =	vst v7  }
0x164: {  	v7 =	vmul.f32 v60, v63;
	[tilespmem:s2+$0xFFFFFFE0] =	vst v8  }
0x165: {  	[tilespmem:s2+$0xFFFFFFD0] =	vst v6  }
0x166: {  	s28 =	simm.s32 $0x40;
	[tilespmem:s2+$0xFFFFFFC0] =	vst v7  }
0x167: {  	s6 =	simm.s32 $0x200;
	v6 =	vld [tilespmem:s28+$0x175C0]  }
.LBB2_7:
0x168: {  	p1 =	sne.s32 s6, $0x4F00;
	v7 =	vld [tilespmem:s28+$0x14DC0]  }
0x169: {  	v8 =	vld [tilespmem:s28+$0x175D0]  }
0x16a: {  	v9 =	vld [tilespmem:s28+$0x14DD0]  }
0x16b: {  	v10 =	vld [tilespmem:s28+$0x175E0]  }
0x16c: {  	v11 =	vld [tilespmem:s28+$0x14DE0]  }
0x16d: {  	v6 =	vadd.f32 v6, v7;
	v7 =	vld [tilespmem:s28+$0x175F0]  }
0x16e: {  	v12 =	vld [tilespmem:s28+$0x14DF0]  }
0x16f: {  	v6 =	vmax.f32 v6, $0.0e+00;
	v8 =	vadd.f32 v8, v9  }
0x170: {  	v6 =	vmul.f32 v6, v5  }
0x171: {  	v8 =	vmax.f32 v8, $0.0e+00;
	v9 =	vadd.f32 v10, v11  }
0x172: {  	v6 =	vadd.f32 $0.0e+00, v6;
	v8 =	vmul.f32 v8, v4  }
0x173: {  	v9 =	vmax.f32 v9, $0.0e+00;
	v7 =	vadd.f32 v7, v12  }
0x174: {  	v6 =	vadd.f32 v8, v6;
	v8 =	vmul.f32 v9, v3  }
0x175: {  	v7 =	vmax.f32 v7, $0.0e+00  }
0x176: {  	v6 =	vadd.f32 v8, v6;
	v7 =	vmul.f32 v7, v2;
	_ =	sdelay $0x1  }
0x177: {  	v6 =	vadd.f32 v7, v6;
	_ =	sdelay $0x1  }
0x178: {  	(xrf2) =	vadd.scan.msk.f32 $0xffff, v6;
	_ =	sdelay $0x9  }
0x179: {  	v6, _, _ =	vpop (xrf2)  }
0x17a: {  	v6 =	vbroadcast v6, $0xF;
	_ =	sdelay $0x1  }
0x17b: {  	v6 =	vadd.f32 v6, v1;
	_ =	sdelay $0x1  }
0x17c: {  	v6 =	vsub.f32 $0.0e+00, v6;
	_ =	sdelay $0x1  }
0x17d: {  	v6 =	vmul.f32 $1.442695020e+00, v6;
	_ =	sdelay $0x1  }
0x17e: {  	(erf) = vpow2.f32 v6;
	_ =	sdelay $0x8  }
0x17f: {  	v6 =	vpop (erf)  }
0x180: {  	v6 =	vadd.f32 $1.000000000e+00, v6;
	_ =	sdelay $0x1  }
0x181: {  	s2 =	sadd.s32 $0x80, s2;
	(erf) = vrcp.f32 v6  }
0x182: {  	v6 =	vld [tilespmem:s2+$0xFFFFFFF0]  }
0x183: {  	v7 =	vld [tilespmem:s2+$0x30]  }
0x184: {  	v8 =	vld [tilespmem:s2+$0x20]  }
0x185: {  	v9 =	vld [tilespmem:s2+$0x10]  }
0x186: {  	v10 =	vld [tilespmem:s2+$0x0]  }
0x187: {  	v11 =	vld [tilespmem:s2+$0xFFFFFFE0]  }
0x188: {  	v12 =	vld [tilespmem:s2+$0xFFFFFFD0]  }
0x189: {  	v13 =	vld [tilespmem:s2+$0xFFFFFFC0]  }
0x18a: {  	v14 =	vpop (erf)  }
0x18b: {  	v8 =	vmul.f32 v14, v8;
	v7 =	vmul.f32 v7, v14  }
0x18c: {  	v10 =	vmul.f32 v14, v10;
	v9 =	vmul.f32 v14, v9  }
0x18d: {  	v6 =	vmul.f32 v14, v6;
	v11 =	vmul.f32 v14, v11;
	[tilespmem:s2+$0x30] =	vst v7  }
0x18e: {  	v12 =	vmul.f32 v14, v12;
	v7 =	vmul.f32 v14, v13;
	[tilespmem:s2+$0x20] =	vst v8  }
0x18f: {  	[tilespmem:s2+$0x10] =	vst v9  }
0x190: {  	[tilespmem:s2+$0x0] =	vst v10  }
.Ltmp2:
0x191: {  	[tilespmem:s2+$0xFFFFFFF0] =	vst v6;
	(pc) =	sbr.rel @p1 .LBB2_7-.Ltmp2, $4  }
0x192: {  	[tilespmem:s2+$0xFFFFFFE0] =	vst v11  }
0x193: {  	[tilespmem:s2+$0xFFFFFFD0] =	vst v12  }
0x194: {  	s28 =	sshra.s32 s6, $0x2;
	[tilespmem:s2+$0xFFFFFFC0] =	vst v7  }
0x195: {  	s6 =	sadd.s32 $0x100, s6;
	v6 =	vld [tilespmem:s28+$0x175C0]  }
0x196: {  	v7 =	vld [tilespmem:s28+$0x14DC0]  }
0x197: {  	v8 =	vld [tilespmem:s28+$0x175D0]  }
0x198: {  	v9 =	vld [tilespmem:s28+$0x14DD0]  }
0x199: {  	v10 =	vld [tilespmem:s28+$0x175E0]  }
0x19a: {  	v11 =	vld [tilespmem:s28+$0x14DE0]  }
0x19b: {  	v12 =	vld [tilespmem:s28+$0x14DF0];
	v6 =	vadd.f32 v6, v7  }
0x19c: {  	v7 =	vld [tilespmem:s28+$0x175F0]  }
0x19d: {  	v8 =	vadd.f32 v8, v9;
	v6 =	vmax.f32 v6, $0.0e+00  }
0x19e: {  	v6 =	vmul.f32 v6, v5  }
0x19f: {  	v56 =	vadd.f32 v10, v11;
	v8 =	vmax.f32 v8, $0.0e+00  }
0x1a0: {  	v8 =	vmul.f32 v8, v4;
	v6 =	vadd.f32 $0.0e+00, v6  }
0x1a1: {  	v9 =	vmax.f32 v56, $0.0e+00;
	v7 =	vadd.f32 v7, v12  }
0x1a2: {  	v57 =	vmul.f32 v9, v3;
	v6 =	vadd.f32 v8, v6  }
0x1a3: {  	v7 =	vmax.f32 v7, $0.0e+00  }
0x1a4: {  	v7 =	vmul.f32 v7, v2;
	v6 =	vadd.f32 v57, v6;
	_ =	sdelay $0x1  }
0x1a5: {  	v6 =	vadd.f32 v7, v6;
	_ =	sdelay $0x1  }
0x1a6: {  	(xrf2) =	vadd.scan.msk.f32 $0xffff, v6;
	_ =	sdelay $0x9  }
0x1a7: {  	v6, _, _ =	vpop (xrf2)  }
0x1a8: {  	v6 =	vbroadcast v6, $0xF;
	_ =	sdelay $0x1  }
0x1a9: {  	v6 =	vadd.f32 v6, v1;
	_ =	sdelay $0x1  }
0x1aa: {  	v6 =	vsub.f32 $0.0e+00, v6;
	_ =	sdelay $0x1  }
0x1ab: {  	v6 =	vmul.f32 $1.442695020e+00, v6;
	_ =	sdelay $0x1  }
0x1ac: {  	(erf) = vpow2.f32 v6;
	_ =	sdelay $0x8  }
0x1ad: {  	v6 =	vpop (erf)  }
0x1ae: {  	v6 =	vadd.f32 $1.000000000e+00, v6;
	_ =	sdelay $0x1  }
0x1af: {  	(erf) = vrcp.f32 v6;
	_ =	sdelay $0x3  }
0x1b0: {  	s2 =	sadd.s32 $0x80, s2  }
0x1b1: {  	v6 =	vld [tilespmem:s2+$0x30]  }
0x1b2: {  	v7 =	vld [tilespmem:s2+$0x20]  }
0x1b3: {  	v58 =	vld [tilespmem:s2+$0x10]  }
0x1b4: {  	v62 =	vld [tilespmem:s2+$0xFFFFFFE0]  }
0x1b5: {  	v59 =	vld [tilespmem:s2+$0x0];
	v61 =	vpop (erf)  }
0x1b6: {  	v60 =	vld [tilespmem:s2+$0xFFFFFFF0];
	v6 =	vmul.f32 v6, v61  }
0x1b7: {  	v13 =	vld [tilespmem:s2+$0xFFFFFFD0];
	v7 =	vmul.f32 v61, v7  }
0x1b8: {  	v14 =	vld [tilespmem:s2+$0xFFFFFFC0];
	v8 =	vmul.f32 v61, v58;
	[tilespmem:s2+$0x30] =	vst v6  }
0x1b9: {  	v63 =	vmul.f32 v61, v62;
	[tilespmem:s2+$0x20] =	vst v7  }
0x1ba: {  	s9 =	sadd.s32 $0x1, s9;
	v6 =	vmul.f32 v61, v59;
	[tilespmem:s2+$0x10] =	vst v8  }
0x1bb: {  	p1 =	sne.s32 s9, $0x3E;
	v7 =	vmul.f32 v61, v60;
	[tilespmem:s2+$0xFFFFFFE0] =	vst v63  }
.Ltmp3:
0x1bc: {  	[tilespmem:s2+$0x0] =	vst v6;
	v6 =	vmul.f32 v61, v13;
	(pc) =	sbr.rel @p1 .LBB2_4-.Ltmp3, $4  }
0x1bd: {  	[tilespmem:s2+$0xFFFFFFF0] =	vst v7;
	v7 =	vmul.f32 v61, v14  }
0x1be: {  	[tilespmem:s2+$0xFFFFFFD0] =	vst v6  }
0x1bf: {  	[tilespmem:s2+$0xFFFFFFC0] =	vst v7  }
0x1c0: {  	[spmem:s12] =	stream.indirect.scatter.add.f32 [tilespmem:s30], [sflag:$0x8], $0x80, s25, s20, $0xb8;
	[tilespmem:$0x1DA10] =	vst v63  }
0x1c1: {  	_ =	swait.ge [sflag:s31], $0x1400  }
0x1c2: {  	[sflag:s31] =	ssyncset.done $0x0  }
0x1c3: {  	[sflag:s31] =	ssyncadd.s32 $0xFFFFEC00  }
0x1c4: {  	_ =	swait.ge [sflag:s11], $0x1400  }
0x1c5: {  	[sflag:s11] =	ssyncset.done $0x0  }
0x1c6: {  	[sflag:s11] =	ssyncadd.s32 $0xFFFFEC00  }
0x1c7: {  	_ =	swait.ge [sflag:s10], $0x2800  }
0x1c8: {  	[sflag:s10] =	ssyncset.done $0x0  }
0x1c9: {  	s2 =	simm.s32 $0x0;
	[sflag:s10] =	ssyncadd.s32 $0xFFFFD800  }
0x1ca: {  	v6 =	vld [tilespmem:s2+$0x161C0]  }
0x1cb: {  	v7 =	vld [tilespmem:s2+$0x139C0]  }
0x1cc: {  	v8 =	vld [tilespmem:s2+$0x161D0]  }
0x1cd: {  	v9 =	vld [tilespmem:s2+$0x139D0]  }
0x1ce: {  	v10 =	vld [tilespmem:s2+$0x161E0]  }
0x1cf: {  	v11 =	vld [tilespmem:s2+$0x139E0]  }
0x1d0: {  	v12 =	vld [tilespmem:s2+$0x139F0];
	v6 =	vadd.f32 v6, v7  }
0x1d1: {  	v7 =	vld [tilespmem:s2+$0x161F0]  }
0x1d2: {  	v8 =	vadd.f32 v8, v9;
	v6 =	vmax.f32 v6, $0.0e+00  }
0x1d3: {  	v6 =	vmul.f32 v6, v5  }
0x1d4: {  	v59 =	vadd.f32 v10, v11;
	v8 =	vmax.f32 v8, $0.0e+00  }
0x1d5: {  	v8 =	vmul.f32 v8, v4;
	v6 =	vadd.f32 $0.0e+00, v6  }
0x1d6: {  	v9 =	vmax.f32 v59, $0.0e+00;
	v7 =	vadd.f32 v7, v12  }
0x1d7: {  	v6 =	vadd.f32 v8, v6;
	v8 =	vmul.f32 v9, v3  }
0x1d8: {  	v7 =	vmax.f32 v7, $0.0e+00  }
0x1d9: {  	v7 =	vmul.f32 v7, v2;
	v6 =	vadd.f32 v8, v6;
	_ =	sdelay $0x1  }
0x1da: {  	v6 =	vadd.f32 v7, v6;
	_ =	sdelay $0x1  }
0x1db: {  	(xrf2) =	vadd.scan.msk.f32 $0xffff, v6;
	_ =	sdelay $0x9  }
0x1dc: {  	v6, _, _ =	vpop (xrf2)  }
0x1dd: {  	v6 =	vbroadcast v6, $0xF;
	_ =	sdelay $0x1  }
0x1de: {  	v6 =	vadd.f32 v6, v1;
	_ =	sdelay $0x1  }
0x1df: {  	v6 =	vsub.f32 $0.0e+00, v6;
	_ =	sdelay $0x1  }
0x1e0: {  	v6 =	vmul.f32 $1.442695020e+00, v6;
	_ =	sdelay $0x1  }
0x1e1: {  	(erf) = vpow2.f32 v6;
	_ =	sdelay $0x8  }
0x1e2: {  	v6 =	vpop (erf)  }
0x1e3: {  	v6 =	vadd.f32 $1.000000000e+00, v6;
	_ =	sdelay $0x1  }
0x1e4: {  	(erf) = vrcp.f32 v6;
	_ =	sdelay $0x3  }
0x1e5: {  	s2 =	simm.s32 $0x18A00  }
0x1e6: {  	v6 =	vld [tilespmem:s2+$0x30]  }
0x1e7: {  	v7 =	vld [tilespmem:s2+$0x20]  }
0x1e8: {  	v8 =	vld [tilespmem:s2+$0x10]  }
0x1e9: {  	v60 =	vld [tilespmem:s2+$0x0]  }
0x1ea: {  	v61 =	vld [tilespmem:s2+$0xFFFFFFF0];
	v62 =	vpop (erf)  }
0x1eb: {  	v63 =	vld [tilespmem:s2+$0xFFFFFFE0];
	v6 =	vmul.f32 v6, v62  }
0x1ec: {  	v13 =	vld [tilespmem:s2+$0xFFFFFFD0];
	v7 =	vmul.f32 v62, v7  }
0x1ed: {  	v14 =	vld [tilespmem:s2+$0xFFFFFFC0];
	v8 =	vmul.f32 v62, v8;
	[tilespmem:s2+$0x30] =	vst v6  }
0x1ee: {  	v6 =	vmul.f32 v62, v60;
	[tilespmem:s2+$0x20] =	vst v7  }
0x1ef: {  	v7 =	vmul.f32 v62, v61;
	[tilespmem:s2+$0x10] =	vst v8  }
0x1f0: {  	v8 =	vmul.f32 v62, v63;
	[tilespmem:s2+$0x0] =	vst v6  }
0x1f1: {  	v6 =	vmul.f32 v62, v13;
	[tilespmem:s2+$0xFFFFFFF0] =	vst v7  }
0x1f2: {  	v7 =	vmul.f32 v62, v14;
	[tilespmem:s2+$0xFFFFFFE0] =	vst v8  }
0x1f3: {  	[tilespmem:s2+$0xFFFFFFD0] =	vst v6  }
0x1f4: {  	s7 =	simm.s32 $0x40;
	[tilespmem:s2+$0xFFFFFFC0] =	vst v7  }
0x1f5: {  	s6 =	simm.s32 $0x200;
	v6 =	vld [tilespmem:s7+$0x161C0]  }
.LBB2_10:
0x1f6: {  	p1 =	sne.s32 s6, $0x4F00;
	v7 =	vld [tilespmem:s7+$0x139C0]  }
0x1f7: {  	v8 =	vld [tilespmem:s7+$0x161D0]  }
0x1f8: {  	v9 =	vld [tilespmem:s7+$0x139D0]  }
0x1f9: {  	v10 =	vld [tilespmem:s7+$0x161E0]  }
0x1fa: {  	v11 =	vld [tilespmem:s7+$0x139E0]  }
0x1fb: {  	v6 =	vadd.f32 v6, v7;
	v7 =	vld [tilespmem:s7+$0x161F0]  }
0x1fc: {  	v12 =	vld [tilespmem:s7+$0x139F0]  }
0x1fd: {  	v6 =	vmax.f32 v6, $0.0e+00;
	v8 =	vadd.f32 v8, v9  }
0x1fe: {  	v6 =	vmul.f32 v6, v5  }
0x1ff: {  	v8 =	vmax.f32 v8, $0.0e+00;
	v9 =	vadd.f32 v10, v11  }
0x200: {  	v6 =	vadd.f32 $0.0e+00, v6;
	v8 =	vmul.f32 v8, v4  }
0x201: {  	v9 =	vmax.f32 v9, $0.0e+00;
	v7 =	vadd.f32 v7, v12  }
0x202: {  	v6 =	vadd.f32 v8, v6;
	v8 =	vmul.f32 v9, v3  }
0x203: {  	v7 =	vmax.f32 v7, $0.0e+00  }
0x204: {  	v6 =	vadd.f32 v8, v6;
	v7 =	vmul.f32 v7, v2;
	_ =	sdelay $0x1  }
0x205: {  	v6 =	vadd.f32 v7, v6;
	_ =	sdelay $0x1  }
0x206: {  	(xrf2) =	vadd.scan.msk.f32 $0xffff, v6;
	_ =	sdelay $0x9  }
0x207: {  	v6, _, _ =	vpop (xrf2)  }
0x208: {  	v6 =	vbroadcast v6, $0xF;
	_ =	sdelay $0x1  }
0x209: {  	v6 =	vadd.f32 v6, v1;
	_ =	sdelay $0x1  }
0x20a: {  	v6 =	vsub.f32 $0.0e+00, v6;
	_ =	sdelay $0x1  }
0x20b: {  	v6 =	vmul.f32 $1.442695020e+00, v6;
	_ =	sdelay $0x1  }
0x20c: {  	(erf) = vpow2.f32 v6;
	_ =	sdelay $0x8  }
0x20d: {  	v6 =	vpop (erf)  }
0x20e: {  	v6 =	vadd.f32 $1.000000000e+00, v6;
	_ =	sdelay $0x1  }
0x20f: {  	s2 =	sadd.s32 $0x80, s2;
	(erf) = vrcp.f32 v6  }
0x210: {  	v6 =	vld [tilespmem:s2+$0xFFFFFFF0]  }
0x211: {  	v7 =	vld [tilespmem:s2+$0x30]  }
0x212: {  	v8 =	vld [tilespmem:s2+$0x20]  }
0x213: {  	v9 =	vld [tilespmem:s2+$0x10]  }
0x214: {  	v10 =	vld [tilespmem:s2+$0x0]  }
0x215: {  	v11 =	vld [tilespmem:s2+$0xFFFFFFE0]  }
0x216: {  	v12 =	vld [tilespmem:s2+$0xFFFFFFD0]  }
0x217: {  	v13 =	vld [tilespmem:s2+$0xFFFFFFC0]  }
0x218: {  	v14 =	vpop (erf)  }
0x219: {  	v8 =	vmul.f32 v14, v8;
	v7 =	vmul.f32 v7, v14  }
0x21a: {  	v10 =	vmul.f32 v14, v10;
	v9 =	vmul.f32 v14, v9  }
0x21b: {  	v6 =	vmul.f32 v14, v6;
	v11 =	vmul.f32 v14, v11;
	[tilespmem:s2+$0x30] =	vst v7  }
0x21c: {  	v12 =	vmul.f32 v14, v12;
	v7 =	vmul.f32 v14, v13;
	[tilespmem:s2+$0x20] =	vst v8  }
0x21d: {  	[tilespmem:s2+$0x10] =	vst v9  }
0x21e: {  	[tilespmem:s2+$0x0] =	vst v10  }
.Ltmp4:
0x21f: {  	[tilespmem:s2+$0xFFFFFFF0] =	vst v6;
	(pc) =	sbr.rel @p1 .LBB2_10-.Ltmp4, $4  }
0x220: {  	[tilespmem:s2+$0xFFFFFFE0] =	vst v11  }
0x221: {  	[tilespmem:s2+$0xFFFFFFD0] =	vst v12  }
0x222: {  	s7 =	sshra.s32 s6, $0x2;
	[tilespmem:s2+$0xFFFFFFC0] =	vst v7  }
0x223: {  	s6 =	sadd.s32 $0x100, s6;
	v6 =	vld [tilespmem:s7+$0x161C0]  }
0x224: {  	v7 =	vld [tilespmem:s7+$0x139C0]  }
0x225: {  	v8 =	vld [tilespmem:s7+$0x161D0]  }
0x226: {  	v9 =	vld [tilespmem:s7+$0x139D0]  }
0x227: {  	v10 =	vld [tilespmem:s7+$0x161E0]  }
0x228: {  	v11 =	vld [tilespmem:s7+$0x139E0]  }
0x229: {  	v53 =	vld [tilespmem:s7+$0x161F0];
	v6 =	vadd.f32 v6, v7  }
0x22a: {  	v12 =	vld [tilespmem:s7+$0x139F0]  }
0x22b: {  	v8 =	vadd.f32 v8, v9;
	v6 =	vmax.f32 v6, $0.0e+00  }
0x22c: {  	v5 =	vmul.f32 v6, v5  }
0x22d: {  	v55 =	vadd.f32 v10, v11;
	v54 =	vmax.f32 v8, $0.0e+00  }
0x22e: {  	v4 =	vmul.f32 v54, v4;
	v5 =	vadd.f32 $0.0e+00, v5  }
0x22f: {  	v7 =	vadd.f32 v53, v12;
	v56 =	vmax.f32 v55, $0.0e+00  }
0x230: {  	v3 =	vmul.f32 v56, v3;
	v4 =	vadd.f32 v4, v5  }
0x231: {  	v57 =	vmax.f32 v7, $0.0e+00  }
0x232: {  	v2 =	vmul.f32 v57, v2;
	v3 =	vadd.f32 v3, v4;
	_ =	sdelay $0x1  }
0x233: {  	v2 =	vadd.f32 v2, v3;
	_ =	sdelay $0x1  }
0x234: {  	(xrf2) =	vadd.scan.msk.f32 $0xffff, v2;
	_ =	sdelay $0x9  }
0x235: {  	v2, _, _ =	vpop (xrf2)  }
0x236: {  	v2 =	vbroadcast v2, $0xF;
	_ =	sdelay $0x1  }
0x237: {  	v1 =	vadd.f32 v2, v1;
	_ =	sdelay $0x1  }
0x238: {  	v1 =	vsub.f32 $0.0e+00, v1;
	_ =	sdelay $0x1  }
0x239: {  	v1 =	vmul.f32 $1.442695020e+00, v1;
	_ =	sdelay $0x1  }
0x23a: {  	(erf) = vpow2.f32 v1;
	_ =	sdelay $0x8  }
0x23b: {  	v1 =	vpop (erf)  }
0x23c: {  	v1 =	vadd.f32 $1.000000000e+00, v1;
	_ =	sdelay $0x1  }
0x23d: {  	(erf) = vrcp.f32 v1;
	_ =	sdelay $0x3  }
0x23e: {  	s2 =	sadd.s32 $0x80, s2  }
0x23f: {  	v1 =	vld [tilespmem:s2+$0x30]  }
0x240: {  	v2 =	vld [tilespmem:s2+$0x20]  }
0x241: {  	v3 =	vld [tilespmem:s2+$0x10]  }
0x242: {  	v58 =	vld [tilespmem:s2+$0x0]  }
0x243: {  	v59 =	vld [tilespmem:s2+$0xFFFFFFF0];
	v60 =	vpop (erf)  }
0x244: {  	v61 =	vld [tilespmem:s2+$0xFFFFFFE0];
	v1 =	vmul.f32 v1, v60  }
0x245: {  	v62 =	vld [tilespmem:s2+$0xFFFFFFD0];
	v2 =	vmul.f32 v60, v2  }
0x246: {  	v63 =	vld [tilespmem:s2+$0xFFFFFFC0];
	v3 =	vmul.f32 v60, v3;
	[tilespmem:s2+$0x30] =	vst v1  }
0x247: {  	v1 =	vmul.f32 v60, v58;
	[tilespmem:s2+$0x20] =	vst v2  }
0x248: {  	v2 =	vmul.f32 v60, v59;
	[tilespmem:s2+$0x10] =	vst v3  }
0x249: {  	v3 =	vmul.f32 v60, v61;
	[tilespmem:s2+$0x0] =	vst v1  }
0x24a: {  	v1 =	vmul.f32 v60, v62;
	[tilespmem:s2+$0xFFFFFFF0] =	vst v2  }
0x24b: {  	v2 =	vmul.f32 v60, v63;
	[tilespmem:s2+$0xFFFFFFE0] =	vst v3  }
0x24c: {  	[tilespmem:s2+$0xFFFFFFD0] =	vst v1  }
0x24d: {  	s7 =	simm.s32 $0x8;
	[tilespmem:s2+$0xFFFFFFC0] =	vst v2  }
0x24e: {  	[spmem:s12] =	stream.indirect.scatter.add.f32 [tilespmem:s13], [sflag:$0x4], $0x80, s18, s20, $0xb8;
	[tilespmem:$0x1DA10] =	vst v63  }
0x24f: {  	_ =	swait.ge [sflag:s7], $0x2800  }
0x250: {  	[sflag:s7] =	ssyncset.done $0x0  }
0x251: {  	[sflag:s7] =	ssyncadd.s32 $0xFFFFD800  }
0x252: {  	_ =	swait.ge [sflag:s0], $0x2800  }
0x253: {  	[sflag:s0] =	ssyncset.done $0x0  }
0x254: {  	[sflag:s0] =	ssyncadd.s32 $0xFFFFD800  }
0x255: {  	s9 =	stileid.u32;
	[bflag:$0x0] =	sbarrier.arrive $0xFFFF  }
0x256: {  	s2 =	sshll.u32 s9, $0x6;
	s6 =	rddreg [dreg:$0x7]  }
0x257: {  	s2 =	sor.u32 $0x1C09, s2;
	s28 =	rddreg [dreg:$0x1b]  }
0x258: {  	[hbm:s6], [sflag:s2] =	dma.local [spmem:s28], $0x500  }
0x259: {  	_ =	swait.ge [sflag:s14], $0x500  }
0x25a: {  	[sflag:s14] =	ssyncset.done $0x0;
	s9 =	rddreg [dreg:$0x8]  }
0x25b: {  	s28 =	rddreg [dreg:$0x1c];
	[sflag:s14] =	ssyncadd.s32 $0xFFFFFB00  }
0x25c: {  	[hbm:s9], [sflag:s2] =	dma.local [spmem:s28], $0x500  }
0x25d: {  	_ =	swait.ge [sflag:s14], $0x500  }
0x25e: {  	[sflag:s14] =	ssyncset.done $0x0;
	s9 =	rddreg [dreg:$0x9]  }
0x25f: {  	s28 =	rddreg [dreg:$0x1d];
	[sflag:s14] =	ssyncadd.s32 $0xFFFFFB00  }
0x260: {  	[hbm:s9], [sflag:s2] =	dma.local [spmem:s28], $0x500  }
0x261: {  	_ =	swait.ge [sflag:s14], $0x500  }
0x262: {  	[sflag:s14] =	ssyncset.done $0x0;
	s9 =	rddreg [dreg:$0xa]  }
0x263: {  	s28 =	rddreg [dreg:$0x1e];
	[sflag:s14] =	ssyncadd.s32 $0xFFFFFB00  }
0x264: {  	[hbm:s9], [sflag:s2] =	dma.local [spmem:s28], $0x500  }
0x265: {  	_ =	swait.ge [sflag:s14], $0x500  }
0x266: {  	[sflag:s14] =	ssyncset.done $0x0;
	s9 =	rddreg [dreg:$0xb]  }
0x267: {  	s28 =	rddreg [dreg:$0x1f];
	[sflag:s14] =	ssyncadd.s32 $0xFFFFFB00  }
0x268: {  	[hbm:s9], [sflag:s2] =	dma.local [spmem:s28], $0x500  }
0x269: {  	_ =	swait.ge [sflag:s14], $0x500  }
0x26a: {  	s28 =	sld [smem:$0x7FB]  }
0x26b: {  	[sflag:s14] =	ssyncset.done $0x0  }
0x26c: {  	s9 =	rddreg [dreg:$0xc];
	[sflag:s14] =	ssyncadd.s32 $0xFFFFFB00  }
0x26d: {  	[hbm:s9], [sflag:s2] =	dma.local [spmem:s28], $0x500  }
0x26e: {  	_ =	swait.ge [sflag:s14], $0x500  }
0x26f: {  	s9 =	sld [smem:$0x7FC]  }
0x270: {  	[sflag:s14] =	ssyncset.done $0x0  }
0x271: {  	s7 =	rddreg [dreg:$0xd];
	[sflag:s14] =	ssyncadd.s32 $0xFFFFFB00  }
0x272: {  	[hbm:s7], [sflag:s2] =	dma.local [spmem:s9], $0x500  }
0x273: {  	_ =	swait.ge [sflag:s14], $0x500  }
0x274: {  	s7 =	sld [smem:$0x7FD]  }
0x275: {  	[sflag:s14] =	ssyncset.done $0x0  }
0x276: {  	s6 =	rddreg [dreg:$0xe];
	[sflag:s14] =	ssyncadd.s32 $0xFFFFFB00  }
0x277: {  	[hbm:s6], [sflag:s2] =	dma.local @!p0 [spmem:s7], $0x500  }
0x278: {  	s2 =	simm.s32 @!p0 $0x9  }
0x279: {  	_ =	swait.ge @!p0 [sflag:s2], $0x500  }
0x27a: {  	s29 =	rddreg [dreg:$0x6]  }
0x27b: {  	s28 =	rddreg [dreg:$0x12];
	s29 =	sadd.s32 $0x1, s29  }
0x27c: {  	p1 =	sne.s32 s29, s28  }
.Ltmp5:
0x27d: {  	_ = 	snop;
	(pc) =	sbr.rel @p1 .LBB2_1-.Ltmp5, $3  }
0x27e: {  	_ =	sdelay $0x1  }
0x27f: {  	[sflag:s2] =	ssyncset.done @!p0 $0x0  }
0x280: {  	[sflag:s2] =	ssyncadd.s32 @!p0 $0xFFFFFB00  }
0x281: {  	_ =	sfence.sel $0x180000  }
0x282: {  	[bflag:$0x0] =	sbarrier.arrive $0xFFFF  }
0x283: {  	_ =	strace $0x90000047  }
0x284: {  	s0 =	stileid.u32;
	[bflag:$0x2] =	sbarrier.arrive $0xFFFF  }
0x285: {  	p0 =	sne.s32 s0, $0x0;
	s0 =	rddreg [dreg:$0x5]  }
0x286: {  	s0 =	sadd.s32 @!p0 $0x100000, s0  }
0x287: {  	[sflag:s0] =	ssyncadd.tile.s32 @!p0 $0x1;
	_ =	shalt  }
.Lfunc_end2:
_tile_overlayer_lowered:
.L_overlay_start_2:
0x288: {  	(tag) =	ssettag $0x2  }
0x289: {  	s0 =	rddreg [dreg:$0x0];
	s2 =	stileid.u32  }
0x28a: {  	s1 =	rddreg [dreg:$0x1];
	p0 =	sne.s32 s2, $0x0  }
0x28b: {  	s3 =	rddreg [dreg:$0x2];
	[bflag:$0x3] =	sbarrier.arrive $0xFFFF;
	s2 =	simm.s32 @!p0 $0x1C09  }
0x28c: {  	[timem:s3], [sflag:s2] =	dma.local @!p0 [hbm:s0], s1  }
0x28d: {  	s0 =	simm.s32 @!p0 $0x9  }
0x28e: {  	_ =	swait.ge @!p0 [sflag:s0], s1  }
0x28f: {  	s1 =	ssub.s32 @!p0 $0x0, s1;
	[sflag:s0] =	ssyncset.done @!p0 $0x0  }
0x290: {  	[sflag:s0] =	ssyncadd.s32 @!p0 s1  }
0x291: {  	[bflag:$0x3] =	sbarrier.arrive $0xFFFF  }
0x292: {  	_ =	shalt  }

</sc_bundles>
